<compile_context>
chip_gen: v7x
topology: tpu7x:2x2x1
jax: 0.10.2.dev20260603
libtpu: 0.0.44.dev20260713+nightly
codegen_flags: <defaults>
</compile_context>

<pallas_src>
import jax
import jax.numpy as jnp
from jax import lax
from jax.experimental import pallas as pl
from jax.experimental.pallas import tpu as pltpu
from jax.experimental.pallas import tpu_sc as plsc

_NUM_CLASSES = 90
_C_PAD = 96
_FEA = 128
_BATCH = 16384
_MARGIN = 1.0
_NEG_BIG = -1e30

_NC, _NS = 1, 16
_NW = _NC * _NS
_N_BLK = 2
_NQ = 4
_HB = _BATCH // (_NQ * _N_BLK)
_SC_ROWS = 512
_SC_BASE = _BATCH - _SC_ROWS
_SC_OFF = _HB - _SC_ROWS
_RPW = _SC_ROWS // _NW


def _tc_main_kernel(xa_ref, xb_ref, xc_ref, xd_ref, c_ref,
                    laba_ref, labb_ref, labc_ref, labd_ref,
                    part_ref, mi_ref):
    i = pl.program_id(0)
    c = c_ref[...]
    nrm = jnp.sqrt(jnp.sum(c * c, axis=1, keepdims=True))
    invn = 1.0 / (nrm + 1e-12)
    nc = c * invn

    def quarter(x_ref, lab_ref):
        d = lax.dot_general(nc, x_ref[...], (((1,), (1,)), ((), ())),
                            preferred_element_type=jnp.float32)
        row = lax.broadcasted_iota(jnp.int32, d.shape, 0)
        lab = lab_ref[0, 0, :]
        own = row == lab[None, :]
        m = jnp.max(jnp.where(own, _NEG_BIG, d), axis=0)
        p = jnp.sum(jnp.where(own, d, 0.0), axis=0)
        return own, m, p

    _, m_a, p_a = quarter(xa_ref, laba_ref)
    _, m_b, p_b = quarter(xb_ref, labb_ref)
    _, m_c, p_c = quarter(xc_ref, labc_ref)
    own_d, m_d, p_d = quarter(xd_ref, labd_ref)

    part = (jnp.sum(jnp.maximum(_MARGIN + m_a - p_a, 0.0))
            + jnp.sum(jnp.maximum(_MARGIN + m_b - p_b, 0.0))
            + jnp.sum(jnp.maximum(_MARGIN + m_c - p_c, 0.0)))
    relu_d = jnp.maximum(_MARGIN + m_d - p_d, 0.0)
    col = lax.iota(jnp.int32, _HB)
    tc_owned = jnp.where(col < _HB - _SC_ROWS, relu_d, 0.0)
    part += jnp.where(i < _N_BLK - 1, jnp.sum(relu_d), jnp.sum(tc_owned))

    mi_ref[0, 0, :] = m_d
    mi_ref[1, 0, :] = jnp.sum(jnp.where(own_d, invn, 0.0), axis=0)

    @pl.when(i == 0)
    def _():
        part_ref[0, 0] = 0.0

    part_ref[0, 0] += part


def _sc_pos_kernel(x_hbm, lab_hbm, c_hbm, out_hbm, x_v, lab_v, crow_v,
                   p_v, sem, sem2):
    wid = lax.axis_index("s") * _NC + lax.axis_index("c")
    base = _SC_BASE + wid * _RPW
    cpx = pltpu.async_copy(x_hbm.at[pl.ds(base, _RPW)], x_v, sem)
    pltpu.sync_copy(lab_hbm.at[pl.ds(base, _RPW)], lab_v)
    cpg = pltpu.async_copy(c_hbm.at[lab_v], crow_v, sem2)
    cpx.wait()
    cpg.wait()

    def body(g, carry):
        for u in range(2):
            r = g * 2 + u
            acc = [jnp.zeros((16,), jnp.float32) for _ in range(4)]
            for k in range(_FEA // 16):
                xv = x_v[r, pl.ds(k * 16, 16)]
                cv = crow_v[r, pl.ds(k * 16, 16)]
                acc[k % 4] = acc[k % 4] + xv * cv
            p_v[r] = (acc[0] + acc[1]) + (acc[2] + acc[3])
        return carry

    lax.fori_loop(0, _RPW // 2, body, 0)
    pltpu.sync_copy(p_v, out_hbm.at[pl.ds(wid * _RPW, _RPW)])


def _tc_combine_kernel(part_ref, mi_ref, psc_ref, out_ref):
    ones = jnp.ones((1, 16), jnp.float32)
    p16 = psc_ref[0]
    praw = lax.dot_general(ones, p16, (((1,), (1,)), ((), ())),
                           preferred_element_type=jnp.float32)[0]
    m = mi_ref[0, 0, pl.ds(_SC_OFF, _SC_ROWS)]
    inv = mi_ref[1, 0, pl.ds(_SC_OFF, _SC_ROWS)]
    blk = jnp.sum(jnp.maximum(_MARGIN + m - praw * inv, 0.0))
    out_ref[0, 0] = (part_ref[0, 0] + blk) * (1.0 / _BATCH)


def kernel(x, labels, centers):
    labels = labels.astype(jnp.int32)
    lab3 = labels.reshape(_BATCH // _HB, 1, _HB)

    q_lab = [pl.BlockSpec((1, 1, _HB), lambda i, q=q: (i + q * _N_BLK, 0, 0))
             for q in range(_NQ)]
    q_x = [pl.BlockSpec((_HB, _FEA), lambda i, q=q: (i + q * _N_BLK, 0))
           for q in range(_NQ)]
    sc_blk = pl.BlockSpec((2, 1, _HB), lambda i: (0, 0, 0))
    sc_sd = jax.ShapeDtypeStruct((2, 1, _HB), jnp.float32)

    part, mi = pl.pallas_call(
        _tc_main_kernel,
        grid=(_N_BLK,),
        in_specs=q_x + [
            pl.BlockSpec((_NUM_CLASSES, _FEA), lambda i: (0, 0)),
        ] + q_lab,
        out_specs=[
            pl.BlockSpec(memory_space=pltpu.SMEM),
            sc_blk,
        ],
        out_shape=[
            jax.ShapeDtypeStruct((1, 1), jnp.float32),
            sc_sd,
        ],
    )(x, x, x, x, centers, lab3, lab3, lab3, lab3)

    psc = pl.kernel(
        _sc_pos_kernel,
        out_type=jax.ShapeDtypeStruct((_SC_ROWS, 16), jnp.float32),
        mesh=plsc.VectorSubcoreMesh(core_axis_name="c", subcore_axis_name="s",
                                    num_cores=1),
        scratch_types=[
            pltpu.VMEM((_RPW, _FEA), jnp.float32),
            pltpu.VMEM((_RPW,), jnp.int32),
            pltpu.VMEM((_RPW, _FEA), jnp.float32),
            pltpu.VMEM((_RPW, 16), jnp.float32),
            pltpu.SemaphoreType.DMA,
            pltpu.SemaphoreType.DMA,
        ],
    )(x, labels, centers)

    psc3 = psc.reshape(1, _SC_ROWS, 16)

    loss = pl.pallas_call(
        _tc_combine_kernel,
        grid=(1,),
        in_specs=[
            pl.BlockSpec(memory_space=pltpu.SMEM),
            pl.BlockSpec((2, 1, _HB), lambda i: (0, 0, 0)),
            pl.BlockSpec((1, _SC_ROWS, 16), lambda i: (0, 0, 0)),
        ],
        out_specs=pl.BlockSpec(memory_space=pltpu.SMEM),
        out_shape=jax.ShapeDtypeStruct((1, 1), jnp.float32),
    )(part, mi, psc3)

    return loss[0, 0]

# --- scband reference (transcript-rebuilt; emitter-appended) ---
"""Pipeline reference for scband-triplet-center-cosine-loss-15917148799621 (READ-ONLY COPY).

The authoritative reference and input builder live on the scoring server;
editing this copy changes nothing except your own understanding.
"""

import jax, jax.numpy as jnp
import numpy as np

NUM_CLASSES = 90
FEA_DIM = 128
BATCH = 16384
MARGIN = 1.0


def setup_inputs(seed: int = 0) -> dict:
    key = jax.random.key(seed)
    k_x, k_lab, k_c = jax.random.split(key, 3)
    x = jax.random.normal(k_x, (BATCH, FEA_DIM), dtype=jnp.float32)
    # module docstring assumes ||x||_2 = 1 per row
    x = x / (jnp.linalg.norm(x, axis=1, keepdims=True) + 1e-12)
    labels = jax.random.randint(k_lab, (BATCH,), 0, NUM_CLASSES, dtype=jnp.int64)
    centers = jax.random.normal(k_c, (NUM_CLASSES, FEA_DIM), dtype=jnp.float32)
    return {"x": x, "labels": labels, "centers": centers}


def reference(x, labels, centers):
    # l2Norm applied to centers (self.l2Norm in the torch module)
    norm_centers = centers / (jnp.linalg.norm(centers, axis=1, keepdims=True) + 1e-12)
    # cosine distance to every center: 1 - x . c   -> [B, C]
    sims = 1.0 - x @ norm_centers.T
    b = x.shape[0]
    # positive distance: distance to own class center (gather)
    pos_center = sims[jnp.arange(b), labels]
    # negative distance: min over all other classes (mask out own class)
    own_mask = jax.nn.one_hot(labels, NUM_CLASSES, dtype=jnp.bool_)
    masked = jnp.where(own_mask, jnp.inf, sims)
    neg_center = jnp.min(masked, axis=1)
    loss = jnp.sum(jax.nn.relu(pos_center + MARGIN - neg_center)) / b
    return loss

if __name__ == "__main__":
    import jax
    _d = setup_inputs()
    print(jax.jit(kernel)(*tuple(_d.values())))

</pallas_src>

<mosaic_0001>
#map = affine_map<(d0, d1) -> (0, 0)>
#map1 = affine_map<(d0, d1) -> (0)>
module attributes {stable_mosaic.version = 14 : i64} {
  func.func @_sc_pos_kernel(%arg0: i32, %arg1: i32, %arg2: memref<16384x128xf32, #tpu.memory_space<hbm>>, %arg3: memref<16384xi32, #tpu.memory_space<hbm>>, %arg4: memref<90x128xf32, #tpu.memory_space<hbm>>, %arg5: memref<512x16xf32, #tpu.memory_space<hbm>>, %arg6: memref<32x128xf32, #tpu.memory_space<vmem>>, %arg7: memref<32xi32, #tpu.memory_space<vmem>>, %arg8: memref<32x128xf32, #tpu.memory_space<vmem>>, %arg9: memref<32x16xf32, #tpu.memory_space<vmem>>, %arg10: memref<!tpu.dma_semaphore, #tpu.memory_space<semaphore_mem>>, %arg11: memref<!tpu.dma_semaphore, #tpu.memory_space<semaphore_mem>>) attributes {dimension_semantics = [#tpu.dimension_semantics<core_parallel>, #tpu.dimension_semantics<subcore_parallel>], iteration_bounds = array<i64: 1, 16>, scalar_prefetch = 0 : i64, scratch_operands = 6 : i64, tpu.core_type = #tpu.core_type<sc_vector_subcore>, window_params = [{transform_indices = #map}, {transform_indices = #map1}, {transform_indices = #map}, {transform_indices = #map}]} {
    %mul3A = arith.constant 1 : i32
    %mul3A_0 = arith.muli %arg1, %mul3A : i32
    %add3A = arith.addi %mul3A_0, %arg0 : i32
    %mul3A_1 = arith.constant 32 : i32
    %mul3A_2 = arith.muli %add3A, %mul3A_1 : i32
    %add3A_3 = arith.constant 15872 : i32
    %add3A_4 = arith.addi %add3A_3, %mul3A_2 : i32
    %dma_start3A = arith.constant 0 : i32
    %dma_start3A_5 = tpu.memref_slice %arg2[%add3A_4, %dma_start3A] : memref<16384x128xf32, #tpu.memory_space<hbm>> -> memref<32x128xf32, #tpu.memory_space<hbm>>
    %dma_start3A_6 = arith.constant 0 : i32
    %dma_start3A_7 = tpu.memref_slice %arg2[%add3A_4, %dma_start3A_6] : memref<16384x128xf32, #tpu.memory_space<hbm>> -> memref<32x128xf32, #tpu.memory_space<hbm>>
    tpu.enqueue_dma source(%dma_start3A_7 : memref<32x128xf32, #tpu.memory_space<hbm>>) target(%arg6 : memref<32x128xf32, #tpu.memory_space<vmem>>) target_semaphore(%arg10 : memref<!tpu.dma_semaphore, #tpu.memory_space<semaphore_mem>>)
    "tpu.region"() ({
      %run_scoped3A = tpu.sem_alloc : memref<!tpu.dma_semaphore, #tpu.memory_space<semaphore_mem>>
      %dma_start3A_24 = tpu.memref_slice %arg3[%add3A_4] : memref<16384xi32, #tpu.memory_space<hbm>> -> memref<32xi32, #tpu.memory_space<hbm>>
      %dma_start3A_25 = tpu.memref_slice %arg3[%add3A_4] : memref<16384xi32, #tpu.memory_space<hbm>> -> memref<32xi32, #tpu.memory_space<hbm>>
      tpu.enqueue_dma source(%dma_start3A_25 : memref<32xi32, #tpu.memory_space<hbm>>) target(%arg7 : memref<32xi32, #tpu.memory_space<vmem>>) target_semaphore(%run_scoped3A : memref<!tpu.dma_semaphore, #tpu.memory_space<semaphore_mem>>)
      %dma_wait3A_26 = tpu.memref_slice %arg3[%add3A_4] : memref<16384xi32, #tpu.memory_space<hbm>> -> memref<32xi32, #tpu.memory_space<hbm>>
      %dma_wait3A_27 = tpu.memref_slice %arg3[%add3A_4] : memref<16384xi32, #tpu.memory_space<hbm>> -> memref<32xi32, #tpu.memory_space<hbm>>
      tpu.wait_dma2 semaphore(%run_scoped3A : memref<!tpu.dma_semaphore, #tpu.memory_space<semaphore_mem>>) src(%dma_wait3A_27 : memref<32xi32, #tpu.memory_space<hbm>>) dst(%arg7 : memref<32xi32, #tpu.memory_space<vmem>>)
      tpu.yield
    }) : () -> ()
    %dma_start3A_8 = arith.constant 0 : i32
    %dma_start3A_9 = arith.constant 0 : i32
    %dma_start3A_10 = tpu.memref_slice %arg4[%dma_start3A_8, %dma_start3A_9] : memref<90x128xf32, #tpu.memory_space<hbm>> -> memref<90x128xf32, #tpu.memory_space<hbm>>
    tpu.enqueue_indirect_dma source(%dma_start3A_10 : memref<90x128xf32, #tpu.memory_space<hbm>>) target(%arg8 : memref<32x128xf32, #tpu.memory_space<vmem>>) offsets(%arg7 : memref<32xi32, #tpu.memory_space<vmem>>) semaphore(%arg11 : memref<!tpu.dma_semaphore, #tpu.memory_space<semaphore_mem>>)
    %dma_wait3A = arith.constant 0 : i32
    %dma_wait3A_11 = tpu.memref_slice %arg2[%add3A_4, %dma_wait3A] : memref<16384x128xf32, #tpu.memory_space<hbm>> -> memref<32x128xf32, #tpu.memory_space<hbm>>
    %dma_wait3A_12 = arith.constant 0 : i32
    %dma_wait3A_13 = tpu.memref_slice %arg2[%add3A_4, %dma_wait3A_12] : memref<16384x128xf32, #tpu.memory_space<hbm>> -> memref<32x128xf32, #tpu.memory_space<hbm>>
    tpu.wait_dma2 semaphore(%arg10 : memref<!tpu.dma_semaphore, #tpu.memory_space<semaphore_mem>>) src(%dma_wait3A_13 : memref<32x128xf32, #tpu.memory_space<hbm>>) dst(%arg6 : memref<32x128xf32, #tpu.memory_space<vmem>>)
    %dma_wait3A_14 = arith.constant 0 : i32
    %dma_wait3A_15 = arith.constant 0 : i32
    %dma_wait3A_16 = tpu.memref_slice %arg4[%dma_wait3A_14, %dma_wait3A_15] : memref<90x128xf32, #tpu.memory_space<hbm>> -> memref<90x128xf32, #tpu.memory_space<hbm>>
    tpu.wait_indirect_dma semaphore(%arg11 : memref<!tpu.dma_semaphore, #tpu.memory_space<semaphore_mem>>) src(%dma_wait3A_16 : memref<90x128xf32, #tpu.memory_space<hbm>>) dst(%arg8 : memref<32x128xf32, #tpu.memory_space<vmem>>)
    %scan3A = arith.constant 0 : i32
    %scan3A_17 = arith.constant 0 : i32
    %scan3A_18 = arith.constant 16 : i32
    %scan3A_19 = arith.addi %scan3A_17, %scan3A_18 : i32
    %scan3A_20 = arith.constant 1 : i32
    scf.for %scan3A_24 = %scan3A_17 to %scan3A_19 step %scan3A_20  : i32 {
      %mul3A_25 = arith.constant 2 : i32
      %mul3A_26 = arith.muli %scan3A_24, %mul3A_25 : i32
      %add3A_27 = arith.constant 0 : i32
      %add3A_28 = arith.addi %mul3A_26, %add3A_27 : i32
      %broadcast_in_dim3A = arith.constant 0.000000e+00 : f32
      %broadcast_in_dim3A_29 = vector.broadcast %broadcast_in_dim3A : f32 to vector<16xf32>
      %broadcast_in_dim3A_30 = arith.constant 0.000000e+00 : f32
      %broadcast_in_dim3A_31 = vector.broadcast %broadcast_in_dim3A_30 : f32 to vector<16xf32>
      %broadcast_in_dim3A_32 = arith.constant 0.000000e+00 : f32
      %broadcast_in_dim3A_33 = vector.broadcast %broadcast_in_dim3A_32 : f32 to vector<16xf32>
      %broadcast_in_dim3A_34 = arith.constant 0.000000e+00 : f32
      %broadcast_in_dim3A_35 = vector.broadcast %broadcast_in_dim3A_34 : f32 to vector<16xf32>
      %get3A = arith.index_cast %add3A_28 : i32 to index
      %get3A_36 = arith.constant 0 : index
      %get3A_37 = tpu.vector_load %arg6[%get3A, %get3A_36] {strides = array<i32>} : memref<32x128xf32, #tpu.memory_space<vmem>>, vector<1x16xf32>,
      %get3A_38 = vector.shape_cast %get3A_37 : vector<1x16xf32> to vector<16xf32>
      %get3A_39 = arith.index_cast %add3A_28 : i32 to index
      %get3A_40 = arith.constant 0 : index
      %get3A_41 = tpu.vector_load %arg8[%get3A_39, %get3A_40] {strides = array<i32>} : memref<32x128xf32, #tpu.memory_space<vmem>>, vector<1x16xf32>,
      %get3A_42 = vector.shape_cast %get3A_41 : vector<1x16xf32> to vector<16xf32>
      %mul3A_43 = arith.mulf %get3A_38, %get3A_42 : vector<16xf32>
      %add3A_44 = arith.addf %broadcast_in_dim3A_29, %mul3A_43 : vector<16xf32>
      %get3A_45 = arith.index_cast %add3A_28 : i32 to index
      %get3A_46 = arith.constant 16 : index
      %get3A_47 = tpu.vector_load %arg6[%get3A_45, %get3A_46] {strides = array<i32>} : memref<32x128xf32, #tpu.memory_space<vmem>>, vector<1x16xf32>,
      %get3A_48 = vector.shape_cast %get3A_47 : vector<1x16xf32> to vector<16xf32>
      %get3A_49 = arith.index_cast %add3A_28 : i32 to index
      %get3A_50 = arith.constant 16 : index
      %get3A_51 = tpu.vector_load %arg8[%get3A_49, %get3A_50] {strides = array<i32>} : memref<32x128xf32, #tpu.memory_space<vmem>>, vector<1x16xf32>,
      %get3A_52 = vector.shape_cast %get3A_51 : vector<1x16xf32> to vector<16xf32>
      %mul3A_53 = arith.mulf %get3A_48, %get3A_52 : vector<16xf32>
      %add3A_54 = arith.addf %broadcast_in_dim3A_31, %mul3A_53 : vector<16xf32>
      %get3A_55 = arith.index_cast %add3A_28 : i32 to index
      %get3A_56 = arith.constant 32 : index
      %get3A_57 = tpu.vector_load %arg6[%get3A_55, %get3A_56] {strides = array<i32>} : memref<32x128xf32, #tpu.memory_space<vmem>>, vector<1x16xf32>,
      %get3A_58 = vector.shape_cast %get3A_57 : vector<1x16xf32> to vector<16xf32>
      %get3A_59 = arith.index_cast %add3A_28 : i32 to index
      %get3A_60 = arith.constant 32 : index
      %get3A_61 = tpu.vector_load %arg8[%get3A_59, %get3A_60] {strides = array<i32>} : memref<32x128xf32, #tpu.memory_space<vmem>>, vector<1x16xf32>,
      %get3A_62 = vector.shape_cast %get3A_61 : vector<1x16xf32> to vector<16xf32>
      %mul3A_63 = arith.mulf %get3A_58, %get3A_62 : vector<16xf32>
      %add3A_64 = arith.addf %broadcast_in_dim3A_33, %mul3A_63 : vector<16xf32>
      %get3A_65 = arith.index_cast %add3A_28 : i32 to index
      %get3A_66 = arith.constant 48 : index
      %get3A_67 = tpu.vector_load %arg6[%get3A_65, %get3A_66] {strides = array<i32>} : memref<32x128xf32, #tpu.memory_space<vmem>>, vector<1x16xf32>,
      %get3A_68 = vector.shape_cast %get3A_67 : vector<1x16xf32> to vector<16xf32>
      %get3A_69 = arith.index_cast %add3A_28 : i32 to index
      %get3A_70 = arith.constant 48 : index
      %get3A_71 = tpu.vector_load %arg8[%get3A_69, %get3A_70] {strides = array<i32>} : memref<32x128xf32, #tpu.memory_space<vmem>>, vector<1x16xf32>,
      %get3A_72 = vector.shape_cast %get3A_71 : vector<1x16xf32> to vector<16xf32>
      %mul3A_73 = arith.mulf %get3A_68, %get3A_72 : vector<16xf32>
      %add3A_74 = arith.addf %broadcast_in_dim3A_35, %mul3A_73 : vector<16xf32>
      %get3A_75 = arith.index_cast %add3A_28 : i32 to index
      %get3A_76 = arith.constant 64 : index
      %get3A_77 = tpu.vector_load %arg6[%get3A_75, %get3A_76] {strides = array<i32>} : memref<32x128xf32, #tpu.memory_space<vmem>>, vector<1x16xf32>,
      %get3A_78 = vector.shape_cast %get3A_77 : vector<1x16xf32> to vector<16xf32>
      %get3A_79 = arith.index_cast %add3A_28 : i32 to index
      %get3A_80 = arith.constant 64 : index
      %get3A_81 = tpu.vector_load %arg8[%get3A_79, %get3A_80] {strides = array<i32>} : memref<32x128xf32, #tpu.memory_space<vmem>>, vector<1x16xf32>,
      %get3A_82 = vector.shape_cast %get3A_81 : vector<1x16xf32> to vector<16xf32>
      %mul3A_83 = arith.mulf %get3A_78, %get3A_82 : vector<16xf32>
      %add3A_84 = arith.addf %add3A_44, %mul3A_83 : vector<16xf32>
      %get3A_85 = arith.index_cast %add3A_28 : i32 to index
      %get3A_86 = arith.constant 80 : index
      %get3A_87 = tpu.vector_load %arg6[%get3A_85, %get3A_86] {strides = array<i32>} : memref<32x128xf32, #tpu.memory_space<vmem>>, vector<1x16xf32>,
      %get3A_88 = vector.shape_cast %get3A_87 : vector<1x16xf32> to vector<16xf32>
      %get3A_89 = arith.index_cast %add3A_28 : i32 to index
      %get3A_90 = arith.constant 80 : index
      %get3A_91 = tpu.vector_load %arg8[%get3A_89, %get3A_90] {strides = array<i32>} : memref<32x128xf32, #tpu.memory_space<vmem>>, vector<1x16xf32>,
      %get3A_92 = vector.shape_cast %get3A_91 : vector<1x16xf32> to vector<16xf32>
      %mul3A_93 = arith.mulf %get3A_88, %get3A_92 : vector<16xf32>
      %add3A_94 = arith.addf %add3A_54, %mul3A_93 : vector<16xf32>
      %get3A_95 = arith.index_cast %add3A_28 : i32 to index
      %get3A_96 = arith.constant 96 : index
      %get3A_97 = tpu.vector_load %arg6[%get3A_95, %get3A_96] {strides = array<i32>} : memref<32x128xf32, #tpu.memory_space<vmem>>, vector<1x16xf32>,
      %get3A_98 = vector.shape_cast %get3A_97 : vector<1x16xf32> to vector<16xf32>
      %get3A_99 = arith.index_cast %add3A_28 : i32 to index
      %get3A_100 = arith.constant 96 : index
      %get3A_101 = tpu.vector_load %arg8[%get3A_99, %get3A_100] {strides = array<i32>} : memref<32x128xf32, #tpu.memory_space<vmem>>, vector<1x16xf32>,
      %get3A_102 = vector.shape_cast %get3A_101 : vector<1x16xf32> to vector<16xf32>
      %mul3A_103 = arith.mulf %get3A_98, %get3A_102 : vector<16xf32>
      %add3A_104 = arith.addf %add3A_64, %mul3A_103 : vector<16xf32>
      %get3A_105 = arith.index_cast %add3A_28 : i32 to index
      %get3A_106 = arith.constant 112 : index
      %get3A_107 = tpu.vector_load %arg6[%get3A_105, %get3A_106] {strides = array<i32>} : memref<32x128xf32, #tpu.memory_space<vmem>>, vector<1x16xf32>,
      %get3A_108 = vector.shape_cast %get3A_107 : vector<1x16xf32> to vector<16xf32>
      %get3A_109 = arith.index_cast %add3A_28 : i32 to index
      %get3A_110 = arith.constant 112 : index
      %get3A_111 = tpu.vector_load %arg8[%get3A_109, %get3A_110] {strides = array<i32>} : memref<32x128xf32, #tpu.memory_space<vmem>>, vector<1x16xf32>,
      %get3A_112 = vector.shape_cast %get3A_111 : vector<1x16xf32> to vector<16xf32>
      %mul3A_113 = arith.mulf %get3A_108, %get3A_112 : vector<16xf32>
      %add3A_114 = arith.addf %add3A_74, %mul3A_113 : vector<16xf32>
      %add3A_115 = arith.addf %add3A_84, %add3A_94 : vector<16xf32>
      %add3A_116 = arith.addf %add3A_104, %add3A_114 : vector<16xf32>
      %add3A_117 = arith.addf %add3A_115, %add3A_116 : vector<16xf32>
      %swap3A = arith.index_cast %add3A_28 : i32 to index
      %swap3A_118 = arith.constant 0 : index
      %swap3A_119 = tpu.vector_load %arg9[%swap3A, %swap3A_118] {strides = array<i32>} : memref<32x16xf32, #tpu.memory_space<vmem>>, vector<1x16xf32>,
      %swap3A_120 = vector.shape_cast %swap3A_119 : vector<1x16xf32> to vector<16xf32>
      %swap3A_121 = vector.shape_cast %add3A_117 : vector<16xf32> to vector<1x16xf32>
      tpu.vector_store %arg9[%swap3A, %swap3A_118], %swap3A_121 {strides = array<i32>} : memref<32x16xf32, #tpu.memory_space<vmem>>, vector<1x16xf32>,
      %mul3A_122 = arith.constant 2 : i32
      %mul3A_123 = arith.muli %scan3A_24, %mul3A_122 : i32
      %add3A_124 = arith.constant 1 : i32
      %add3A_125 = arith.addi %mul3A_123, %add3A_124 : i32
      %broadcast_in_dim3A_126 = arith.constant 0.000000e+00 : f32
      %broadcast_in_dim3A_127 = vector.broadcast %broadcast_in_dim3A_126 : f32 to vector<16xf32>
      %broadcast_in_dim3A_128 = arith.constant 0.000000e+00 : f32
      %broadcast_in_dim3A_129 = vector.broadcast %broadcast_in_dim3A_128 : f32 to vector<16xf32>
      %broadcast_in_dim3A_130 = arith.constant 0.000000e+00 : f32
      %broadcast_in_dim3A_131 = vector.broadcast %broadcast_in_dim3A_130 : f32 to vector<16xf32>
      %broadcast_in_dim3A_132 = arith.constant 0.000000e+00 : f32
      %broadcast_in_dim3A_133 = vector.broadcast %broadcast_in_dim3A_132 : f32 to vector<16xf32>
      %get3A_134 = arith.index_cast %add3A_125 : i32 to index
      %get3A_135 = arith.constant 0 : index
      %get3A_136 = tpu.vector_load %arg6[%get3A_134, %get3A_135] {strides = array<i32>} : memref<32x128xf32, #tpu.memory_space<vmem>>, vector<1x16xf32>,
      %get3A_137 = vector.shape_cast %get3A_136 : vector<1x16xf32> to vector<16xf32>
      %get3A_138 = arith.index_cast %add3A_125 : i32 to index
      %get3A_139 = arith.constant 0 : index
      %get3A_140 = tpu.vector_load %arg8[%get3A_138, %get3A_139] {strides = array<i32>} : memref<32x128xf32, #tpu.memory_space<vmem>>, vector<1x16xf32>,
      %get3A_141 = vector.shape_cast %get3A_140 : vector<1x16xf32> to vector<16xf32>
      %mul3A_142 = arith.mulf %get3A_137, %get3A_141 : vector<16xf32>
      %add3A_143 = arith.addf %broadcast_in_dim3A_127, %mul3A_142 : vector<16xf32>
      %get3A_144 = arith.index_cast %add3A_125 : i32 to index
      %get3A_145 = arith.constant 16 : index
      %get3A_146 = tpu.vector_load %arg6[%get3A_144, %get3A_145] {strides = array<i32>} : memref<32x128xf32, #tpu.memory_space<vmem>>, vector<1x16xf32>,
      %get3A_147 = vector.shape_cast %get3A_146 : vector<1x16xf32> to vector<16xf32>
      %get3A_148 = arith.index_cast %add3A_125 : i32 to index
      %get3A_149 = arith.constant 16 : index
      %get3A_150 = tpu.vector_load %arg8[%get3A_148, %get3A_149] {strides = array<i32>} : memref<32x128xf32, #tpu.memory_space<vmem>>, vector<1x16xf32>,
      %get3A_151 = vector.shape_cast %get3A_150 : vector<1x16xf32> to vector<16xf32>
      %mul3A_152 = arith.mulf %get3A_147, %get3A_151 : vector<16xf32>
      %add3A_153 = arith.addf %broadcast_in_dim3A_129, %mul3A_152 : vector<16xf32>
      %get3A_154 = arith.index_cast %add3A_125 : i32 to index
      %get3A_155 = arith.constant 32 : index
      %get3A_156 = tpu.vector_load %arg6[%get3A_154, %get3A_155] {strides = array<i32>} : memref<32x128xf32, #tpu.memory_space<vmem>>, vector<1x16xf32>,
      %get3A_157 = vector.shape_cast %get3A_156 : vector<1x16xf32> to vector<16xf32>
      %get3A_158 = arith.index_cast %add3A_125 : i32 to index
      %get3A_159 = arith.constant 32 : index
      %get3A_160 = tpu.vector_load %arg8[%get3A_158, %get3A_159] {strides = array<i32>} : memref<32x128xf32, #tpu.memory_space<vmem>>, vector<1x16xf32>,
      %get3A_161 = vector.shape_cast %get3A_160 : vector<1x16xf32> to vector<16xf32>
      %mul3A_162 = arith.mulf %get3A_157, %get3A_161 : vector<16xf32>
      %add3A_163 = arith.addf %broadcast_in_dim3A_131, %mul3A_162 : vector<16xf32>
      %get3A_164 = arith.index_cast %add3A_125 : i32 to index
      %get3A_165 = arith.constant 48 : index
      %get3A_166 = tpu.vector_load %arg6[%get3A_164, %get3A_165] {strides = array<i32>} : memref<32x128xf32, #tpu.memory_space<vmem>>, vector<1x16xf32>,
      %get3A_167 = vector.shape_cast %get3A_166 : vector<1x16xf32> to vector<16xf32>
      %get3A_168 = arith.index_cast %add3A_125 : i32 to index
      %get3A_169 = arith.constant 48 : index
      %get3A_170 = tpu.vector_load %arg8[%get3A_168, %get3A_169] {strides = array<i32>} : memref<32x128xf32, #tpu.memory_space<vmem>>, vector<1x16xf32>,
      %get3A_171 = vector.shape_cast %get3A_170 : vector<1x16xf32> to vector<16xf32>
      %mul3A_172 = arith.mulf %get3A_167, %get3A_171 : vector<16xf32>
      %add3A_173 = arith.addf %broadcast_in_dim3A_133, %mul3A_172 : vector<16xf32>
      %get3A_174 = arith.index_cast %add3A_125 : i32 to index
      %get3A_175 = arith.constant 64 : index
      %get3A_176 = tpu.vector_load %arg6[%get3A_174, %get3A_175] {strides = array<i32>} : memref<32x128xf32, #tpu.memory_space<vmem>>, vector<1x16xf32>,
      %get3A_177 = vector.shape_cast %get3A_176 : vector<1x16xf32> to vector<16xf32>
      %get3A_178 = arith.index_cast %add3A_125 : i32 to index
      %get3A_179 = arith.constant 64 : index
      %get3A_180 = tpu.vector_load %arg8[%get3A_178, %get3A_179] {strides = array<i32>} : memref<32x128xf32, #tpu.memory_space<vmem>>, vector<1x16xf32>,
      %get3A_181 = vector.shape_cast %get3A_180 : vector<1x16xf32> to vector<16xf32>
      %mul3A_182 = arith.mulf %get3A_177, %get3A_181 : vector<16xf32>
      %add3A_183 = arith.addf %add3A_143, %mul3A_182 : vector<16xf32>
      %get3A_184 = arith.index_cast %add3A_125 : i32 to index
      %get3A_185 = arith.constant 80 : index
      %get3A_186 = tpu.vector_load %arg6[%get3A_184, %get3A_185] {strides = array<i32>} : memref<32x128xf32, #tpu.memory_space<vmem>>, vector<1x16xf32>,
      %get3A_187 = vector.shape_cast %get3A_186 : vector<1x16xf32> to vector<16xf32>
      %get3A_188 = arith.index_cast %add3A_125 : i32 to index
      %get3A_189 = arith.constant 80 : index
      %get3A_190 = tpu.vector_load %arg8[%get3A_188, %get3A_189] {strides = array<i32>} : memref<32x128xf32, #tpu.memory_space<vmem>>, vector<1x16xf32>,
      %get3A_191 = vector.shape_cast %get3A_190 : vector<1x16xf32> to vector<16xf32>
      %mul3A_192 = arith.mulf %get3A_187, %get3A_191 : vector<16xf32>
      %add3A_193 = arith.addf %add3A_153, %mul3A_192 : vector<16xf32>
      %get3A_194 = arith.index_cast %add3A_125 : i32 to index
      %get3A_195 = arith.constant 96 : index
      %get3A_196 = tpu.vector_load %arg6[%get3A_194, %get3A_195] {strides = array<i32>} : memref<32x128xf32, #tpu.memory_space<vmem>>, vector<1x16xf32>,
      %get3A_197 = vector.shape_cast %get3A_196 : vector<1x16xf32> to vector<16xf32>
      %get3A_198 = arith.index_cast %add3A_125 : i32 to index
      %get3A_199 = arith.constant 96 : index
      %get3A_200 = tpu.vector_load %arg8[%get3A_198, %get3A_199] {strides = array<i32>} : memref<32x128xf32, #tpu.memory_space<vmem>>, vector<1x16xf32>,
      %get3A_201 = vector.shape_cast %get3A_200 : vector<1x16xf32> to vector<16xf32>
      %mul3A_202 = arith.mulf %get3A_197, %get3A_201 : vector<16xf32>
      %add3A_203 = arith.addf %add3A_163, %mul3A_202 : vector<16xf32>
      %get3A_204 = arith.index_cast %add3A_125 : i32 to index
      %get3A_205 = arith.constant 112 : index
      %get3A_206 = tpu.vector_load %arg6[%get3A_204, %get3A_205] {strides = array<i32>} : memref<32x128xf32, #tpu.memory_space<vmem>>, vector<1x16xf32>,
      %get3A_207 = vector.shape_cast %get3A_206 : vector<1x16xf32> to vector<16xf32>
      %get3A_208 = arith.index_cast %add3A_125 : i32 to index
      %get3A_209 = arith.constant 112 : index
      %get3A_210 = tpu.vector_load %arg8[%get3A_208, %get3A_209] {strides = array<i32>} : memref<32x128xf32, #tpu.memory_space<vmem>>, vector<1x16xf32>,
      %get3A_211 = vector.shape_cast %get3A_210 : vector<1x16xf32> to vector<16xf32>
      %mul3A_212 = arith.mulf %get3A_207, %get3A_211 : vector<16xf32>
      %add3A_213 = arith.addf %add3A_173, %mul3A_212 : vector<16xf32>
      %add3A_214 = arith.addf %add3A_183, %add3A_193 : vector<16xf32>
      %add3A_215 = arith.addf %add3A_203, %add3A_213 : vector<16xf32>
      %add3A_216 = arith.addf %add3A_214, %add3A_215 : vector<16xf32>
      %swap3A_217 = arith.index_cast %add3A_125 : i32 to index
      %swap3A_218 = arith.constant 0 : index
      %swap3A_219 = tpu.vector_load %arg9[%swap3A_217, %swap3A_218] {strides = array<i32>} : memref<32x16xf32, #tpu.memory_space<vmem>>, vector<1x16xf32>,
      %swap3A_220 = vector.shape_cast %swap3A_219 : vector<1x16xf32> to vector<16xf32>
      %swap3A_221 = vector.shape_cast %add3A_216 : vector<16xf32> to vector<1x16xf32>
      tpu.vector_store %arg9[%swap3A_217, %swap3A_218], %swap3A_221 {strides = array<i32>} : memref<32x16xf32, #tpu.memory_space<vmem>>, vector<1x16xf32>,
    }
    %scan3A_21 = arith.constant 16 : i32
    %mul3A_22 = arith.constant 32 : i32
    %mul3A_23 = arith.muli %add3A, %mul3A_22 : i32
    "tpu.region"() ({
      %run_scoped3A = tpu.sem_alloc : memref<!tpu.dma_semaphore, #tpu.memory_space<semaphore_mem>>
      %dma_start3A_24 = arith.constant 0 : i32
      %dma_start3A_25 = tpu.memref_slice %arg5[%mul3A_23, %dma_start3A_24] : memref<512x16xf32, #tpu.memory_space<hbm>> -> memref<32x16xf32, #tpu.memory_space<hbm>>
      %dma_start3A_26 = arith.constant 0 : i32
      %dma_start3A_27 = tpu.memref_slice %arg5[%mul3A_23, %dma_start3A_26] : memref<512x16xf32, #tpu.memory_space<hbm>> -> memref<32x16xf32, #tpu.memory_space<hbm>>
      tpu.enqueue_dma source(%arg9 : memref<32x16xf32, #tpu.memory_space<vmem>>) target(%dma_start3A_27 : memref<32x16xf32, #tpu.memory_space<hbm>>) target_semaphore(%run_scoped3A : memref<!tpu.dma_semaphore, #tpu.memory_space<semaphore_mem>>)
      %dma_wait3A_28 = arith.constant 0 : i32
      %dma_wait3A_29 = tpu.memref_slice %arg5[%mul3A_23, %dma_wait3A_28] : memref<512x16xf32, #tpu.memory_space<hbm>> -> memref<32x16xf32, #tpu.memory_space<hbm>>
      %dma_wait3A_30 = arith.constant 0 : i32
      %dma_wait3A_31 = tpu.memref_slice %arg5[%mul3A_23, %dma_wait3A_30] : memref<512x16xf32, #tpu.memory_space<hbm>> -> memref<32x16xf32, #tpu.memory_space<hbm>>
      tpu.wait_dma2 semaphore(%run_scoped3A : memref<!tpu.dma_semaphore, #tpu.memory_space<semaphore_mem>>) src(%arg9 : memref<32x16xf32, #tpu.memory_space<vmem>>) dst(%dma_wait3A_31 : memref<32x16xf32, #tpu.memory_space<hbm>>)
      tpu.yield
    }) : () -> ()
    return
  }
}

module attributes {stable_mosaic.version = 14 : i64} {
  func.func @_tc_main_kernel(%arg0: i32, %arg1: memref<2048x128xf32, #tpu.memory_space<vmem>>, %arg2: memref<2048x128xf32, #tpu.memory_space<vmem>>, %arg3: memref<2048x128xf32, #tpu.memory_space<vmem>>, %arg4: memref<2048x128xf32, #tpu.memory_space<vmem>>, %arg5: memref<90x128xf32, #tpu.memory_space<vmem>>, %arg6: memref<1x1x2048xi32, #tpu.memory_space<vmem>>, %arg7: memref<1x1x2048xi32, #tpu.memory_space<vmem>>, %arg8: memref<1x1x2048xi32, #tpu.memory_space<vmem>>, %arg9: memref<1x1x2048xi32, #tpu.memory_space<vmem>>, %arg10: memref<1x1xf32, #tpu.memory_space<smem>>, %arg11: memref<2x1x2048xf32, #tpu.memory_space<vmem>>) attributes {dimension_semantics = [#tpu.dimension_semantics<arbitrary>], iteration_bounds = array<i64: 2>, scalar_prefetch = 0 : i64, scratch_operands = 0 : i64, tpu.core_type = #tpu.core_type<tc>, window_params = [{transform_indices = @transform_0, window_bounds = array<i64: 2048, 128>}, {transform_indices = @transform_1, window_bounds = array<i64: 2048, 128>}, {transform_indices = @transform_2, window_bounds = array<i64: 2048, 128>}, {transform_indices = @transform_3, window_bounds = array<i64: 2048, 128>}, {pipeline_mode = #tpu.pipeline_mode<synchronous>, transform_indices = @transform_4, window_bounds = array<i64: 90, 128>}, {transform_indices = @transform_5, window_bounds = array<i64: 1, 1, 2048>}, {transform_indices = @transform_6, window_bounds = array<i64: 1, 1, 2048>}, {transform_indices = @transform_7, window_bounds = array<i64: 1, 1, 2048>}, {transform_indices = @transform_8, window_bounds = array<i64: 1, 1, 2048>}, {transform_indices = @transform_9, window_bounds = array<i64: 1, 1>}, {pipeline_mode = #tpu.pipeline_mode<synchronous>, transform_indices = @transform_10, window_bounds = array<i64: 2, 1, 2048>}]} {
    %get3A = arith.constant 0 : index
    %get3A_0 = arith.constant 0 : index
    %get3A_1 = vector.load %arg5[%get3A, %get3A_0] : memref<90x128xf32, #tpu.memory_space<vmem>>, vector<90x128xf32>
    %mul3A = arith.mulf %get3A_1, %get3A_1 : vector<90x128xf32>
    %reduce_sum3A = arith.constant dense<0.000000e+00> : vector<90xf32>
    %reduce_sum3A_2 = vector.multi_reduction <add>, %mul3A, %reduce_sum3A [1] : vector<90x128xf32> to vector<90xf32>
    %broadcast_in_dim3A = vector.shape_cast %reduce_sum3A_2 : vector<90xf32> to vector<90x1xf32>
    %sqrt3A = math.sqrt %broadcast_in_dim3A : vector<90x1xf32>
    %add3A = arith.constant 9.99999996E-13 : f32
    %add3A_3 = vector.broadcast %add3A : f32 to vector<90x1xf32>
    %add3A_4 = arith.addf %sqrt3A, %add3A_3 : vector<90x1xf32>
    %div3A = arith.constant 1.000000e+00 : f32
    %div3A_5 = vector.broadcast %div3A : f32 to vector<90x1xf32>
    %div3A_6 = arith.divf %div3A_5, %add3A_4 : vector<90x1xf32>
    %mul3A_7 = vector.broadcast %div3A_6 : vector<90x1xf32> to vector<90x128xf32>
    %mul3A_8 = arith.mulf %get3A_1, %mul3A_7 : vector<90x128xf32>
    %get3A_9 = arith.constant 0 : index
    %get3A_10 = arith.constant 0 : index
    %get3A_11 = vector.load %arg1[%get3A_9, %get3A_10] : memref<2048x128xf32, #tpu.memory_space<vmem>>, vector<2048x128xf32>
    %dot_general3A = arith.constant dense<0.000000e+00> : vector<90x2048xf32>
    %dot_general3A_12 = tpu.matmul %mul3A_8, %get3A_11, %dot_general3A {dimension_numbers = #tpu.dot_dimension_numbers<[1], [1], [0], [0], [0, 0, 1, 0], [], []>, transpose_lhs_hint = false} : vector<90x128xf32>, vector<2048x128xf32>, vector<90x2048xf32> -> vector<90x2048xf32>
    %iota3A = tpu.iota {dimensions = array<i32: 0>} : vector<90x2048xi32>
    %get3A_13 = arith.constant 0 : index
    %get3A_14 = arith.constant 0 : index
    %get3A_15 = arith.constant 0 : index
    %get3A_16 = vector.load %arg6[%get3A_13, %get3A_14, %get3A_15] : memref<1x1x2048xi32, #tpu.memory_space<vmem>>, vector<1x1x2048xi32>
    %get3A_17 = vector.shape_cast %get3A_16 : vector<1x1x2048xi32> to vector<2048xi32>
    %broadcast_in_dim3A_18 = vector.shape_cast %get3A_17 : vector<2048xi32> to vector<1x2048xi32>
    %eq3A = vector.broadcast %broadcast_in_dim3A_18 : vector<1x2048xi32> to vector<90x2048xi32>
    %eq3A_19 = arith.cmpi eq, %iota3A, %eq3A : vector<90x2048xi32>
    %jit3A = arith.constant -1.000000e+30 : f32
    %broadcast_in_dim3A_20 = vector.broadcast %jit3A : f32 to vector<90x2048xf32>
    %select_n3A = arith.select %eq3A_19, %broadcast_in_dim3A_20, %dot_general3A_12 : vector<90x2048xi1>, vector<90x2048xf32>
    %reduce_max3A = arith.constant dense<0xFF800000> : vector<2048xf32>
    %reduce_max3A_21 = vector.multi_reduction <maximumf>, %select_n3A, %reduce_max3A [0] : vector<90x2048xf32> to vector<2048xf32>
    %jit3A_22 = arith.constant 0.000000e+00 : f32
    %broadcast_in_dim3A_23 = vector.broadcast %jit3A_22 : f32 to vector<90x2048xf32>
    %select_n3A_24 = arith.select %eq3A_19, %dot_general3A_12, %broadcast_in_dim3A_23 : vector<90x2048xi1>, vector<90x2048xf32>
    %reduce_sum3A_25 = arith.constant dense<0.000000e+00> : vector<2048xf32>
    %reduce_sum3A_26 = vector.multi_reduction <add>, %select_n3A_24, %reduce_sum3A_25 [0] : vector<90x2048xf32> to vector<2048xf32>
    %get3A_27 = arith.constant 0 : index
    %get3A_28 = arith.constant 0 : index
    %get3A_29 = vector.load %arg2[%get3A_27, %get3A_28] : memref<2048x128xf32, #tpu.memory_space<vmem>>, vector<2048x128xf32>
    %dot_general3A_30 = arith.constant dense<0.000000e+00> : vector<90x2048xf32>
    %dot_general3A_31 = tpu.matmul %mul3A_8, %get3A_29, %dot_general3A_30 {dimension_numbers = #tpu.dot_dimension_numbers<[1], [1], [0], [0], [0, 0, 1, 0], [], []>, transpose_lhs_hint = false} : vector<90x128xf32>, vector<2048x128xf32>, vector<90x2048xf32> -> vector<90x2048xf32>
    %iota3A_32 = tpu.iota {dimensions = array<i32: 0>} : vector<90x2048xi32>
    %get3A_33 = arith.constant 0 : index
    %get3A_34 = arith.constant 0 : index
    %get3A_35 = arith.constant 0 : index
    %get3A_36 = vector.load %arg7[%get3A_33, %get3A_34, %get3A_35] : memref<1x1x2048xi32, #tpu.memory_space<vmem>>, vector<1x1x2048xi32>
    %get3A_37 = vector.shape_cast %get3A_36 : vector<1x1x2048xi32> to vector<2048xi32>
    %broadcast_in_dim3A_38 = vector.shape_cast %get3A_37 : vector<2048xi32> to vector<1x2048xi32>
    %eq3A_39 = vector.broadcast %broadcast_in_dim3A_38 : vector<1x2048xi32> to vector<90x2048xi32>
    %eq3A_40 = arith.cmpi eq, %iota3A_32, %eq3A_39 : vector<90x2048xi32>
    %jit3A_41 = arith.constant -1.000000e+30 : f32
    %broadcast_in_dim3A_42 = vector.broadcast %jit3A_41 : f32 to vector<90x2048xf32>
    %select_n3A_43 = arith.select %eq3A_40, %broadcast_in_dim3A_42, %dot_general3A_31 : vector<90x2048xi1>, vector<90x2048xf32>
    %reduce_max3A_44 = arith.constant dense<0xFF800000> : vector<2048xf32>
    %reduce_max3A_45 = vector.multi_reduction <maximumf>, %select_n3A_43, %reduce_max3A_44 [0] : vector<90x2048xf32> to vector<2048xf32>
    %jit3A_46 = arith.constant 0.000000e+00 : f32
    %broadcast_in_dim3A_47 = vector.broadcast %jit3A_46 : f32 to vector<90x2048xf32>
    %select_n3A_48 = arith.select %eq3A_40, %dot_general3A_31, %broadcast_in_dim3A_47 : vector<90x2048xi1>, vector<90x2048xf32>
    %reduce_sum3A_49 = arith.constant dense<0.000000e+00> : vector<2048xf32>
    %reduce_sum3A_50 = vector.multi_reduction <add>, %select_n3A_48, %reduce_sum3A_49 [0] : vector<90x2048xf32> to vector<2048xf32>
    %get3A_51 = arith.constant 0 : index
    %get3A_52 = arith.constant 0 : index
    %get3A_53 = vector.load %arg3[%get3A_51, %get3A_52] : memref<2048x128xf32, #tpu.memory_space<vmem>>, vector<2048x128xf32>
    %dot_general3A_54 = arith.constant dense<0.000000e+00> : vector<90x2048xf32>
    %dot_general3A_55 = tpu.matmul %mul3A_8, %get3A_53, %dot_general3A_54 {dimension_numbers = #tpu.dot_dimension_numbers<[1], [1], [0], [0], [0, 0, 1, 0], [], []>, transpose_lhs_hint = false} : vector<90x128xf32>, vector<2048x128xf32>, vector<90x2048xf32> -> vector<90x2048xf32>
    %iota3A_56 = tpu.iota {dimensions = array<i32: 0>} : vector<90x2048xi32>
    %get3A_57 = arith.constant 0 : index
    %get3A_58 = arith.constant 0 : index
    %get3A_59 = arith.constant 0 : index
    %get3A_60 = vector.load %arg8[%get3A_57, %get3A_58, %get3A_59] : memref<1x1x2048xi32, #tpu.memory_space<vmem>>, vector<1x1x2048xi32>
    %get3A_61 = vector.shape_cast %get3A_60 : vector<1x1x2048xi32> to vector<2048xi32>
    %broadcast_in_dim3A_62 = vector.shape_cast %get3A_61 : vector<2048xi32> to vector<1x2048xi32>
    %eq3A_63 = vector.broadcast %broadcast_in_dim3A_62 : vector<1x2048xi32> to vector<90x2048xi32>
    %eq3A_64 = arith.cmpi eq, %iota3A_56, %eq3A_63 : vector<90x2048xi32>
    %jit3A_65 = arith.constant -1.000000e+30 : f32
    %broadcast_in_dim3A_66 = vector.broadcast %jit3A_65 : f32 to vector<90x2048xf32>
    %select_n3A_67 = arith.select %eq3A_64, %broadcast_in_dim3A_66, %dot_general3A_55 : vector<90x2048xi1>, vector<90x2048xf32>
    %reduce_max3A_68 = arith.constant dense<0xFF800000> : vector<2048xf32>
    %reduce_max3A_69 = vector.multi_reduction <maximumf>, %select_n3A_67, %reduce_max3A_68 [0] : vector<90x2048xf32> to vector<2048xf32>
    %jit3A_70 = arith.constant 0.000000e+00 : f32
    %broadcast_in_dim3A_71 = vector.broadcast %jit3A_70 : f32 to vector<90x2048xf32>
    %select_n3A_72 = arith.select %eq3A_64, %dot_general3A_55, %broadcast_in_dim3A_71 : vector<90x2048xi1>, vector<90x2048xf32>
    %reduce_sum3A_73 = arith.constant dense<0.000000e+00> : vector<2048xf32>
    %reduce_sum3A_74 = vector.multi_reduction <add>, %select_n3A_72, %reduce_sum3A_73 [0] : vector<90x2048xf32> to vector<2048xf32>
    %get3A_75 = arith.constant 0 : index
    %get3A_76 = arith.constant 0 : index
    %get3A_77 = vector.load %arg4[%get3A_75, %get3A_76] : memref<2048x128xf32, #tpu.memory_space<vmem>>, vector<2048x128xf32>
    %dot_general3A_78 = arith.constant dense<0.000000e+00> : vector<90x2048xf32>
    %dot_general3A_79 = tpu.matmul %mul3A_8, %get3A_77, %dot_general3A_78 {dimension_numbers = #tpu.dot_dimension_numbers<[1], [1], [0], [0], [0, 0, 1, 0], [], []>, transpose_lhs_hint = false} : vector<90x128xf32>, vector<2048x128xf32>, vector<90x2048xf32> -> vector<90x2048xf32>
    %iota3A_80 = tpu.iota {dimensions = array<i32: 0>} : vector<90x2048xi32>
    %get3A_81 = arith.constant 0 : index
    %get3A_82 = arith.constant 0 : index
    %get3A_83 = arith.constant 0 : index
    %get3A_84 = vector.load %arg9[%get3A_81, %get3A_82, %get3A_83] : memref<1x1x2048xi32, #tpu.memory_space<vmem>>, vector<1x1x2048xi32>
    %get3A_85 = vector.shape_cast %get3A_84 : vector<1x1x2048xi32> to vector<2048xi32>
    %broadcast_in_dim3A_86 = vector.shape_cast %get3A_85 : vector<2048xi32> to vector<1x2048xi32>
    %eq3A_87 = vector.broadcast %broadcast_in_dim3A_86 : vector<1x2048xi32> to vector<90x2048xi32>
    %eq3A_88 = arith.cmpi eq, %iota3A_80, %eq3A_87 : vector<90x2048xi32>
    %jit3A_89 = arith.constant -1.000000e+30 : f32
    %broadcast_in_dim3A_90 = vector.broadcast %jit3A_89 : f32 to vector<90x2048xf32>
    %select_n3A_91 = arith.select %eq3A_88, %broadcast_in_dim3A_90, %dot_general3A_79 : vector<90x2048xi1>, vector<90x2048xf32>
    %reduce_max3A_92 = arith.constant dense<0xFF800000> : vector<2048xf32>
    %reduce_max3A_93 = vector.multi_reduction <maximumf>, %select_n3A_91, %reduce_max3A_92 [0] : vector<90x2048xf32> to vector<2048xf32>
    %jit3A_94 = arith.constant 0.000000e+00 : f32
    %broadcast_in_dim3A_95 = vector.broadcast %jit3A_94 : f32 to vector<90x2048xf32>
    %select_n3A_96 = arith.select %eq3A_88, %dot_general3A_79, %broadcast_in_dim3A_95 : vector<90x2048xi1>, vector<90x2048xf32>
    %reduce_sum3A_97 = arith.constant dense<0.000000e+00> : vector<2048xf32>
    %reduce_sum3A_98 = vector.multi_reduction <add>, %select_n3A_96, %reduce_sum3A_97 [0] : vector<90x2048xf32> to vector<2048xf32>
    %add3A_99 = arith.constant 1.000000e+00 : f32
    %add3A_100 = vector.broadcast %add3A_99 : f32 to vector<2048xf32>
    %add3A_101 = arith.addf %add3A_100, %reduce_max3A_21 : vector<2048xf32>
    %sub3A = arith.subf %add3A_101, %reduce_sum3A_26 : vector<2048xf32>
    %max3A = arith.constant 0.000000e+00 : f32
    %max3A_102 = vector.broadcast %max3A : f32 to vector<2048xf32>
    %max3A_103 = arith.maximumf %sub3A, %max3A_102 : vector<2048xf32>
    %reduce_sum3A_104 = vector.shape_cast %max3A_103 : vector<2048xf32> to vector<1x2048xf32>
    %reduce_sum3A_105 = arith.constant dense<0.000000e+00> : vector<1xf32>
    %reduce_sum3A_106 = vector.multi_reduction <add>, %reduce_sum3A_104, %reduce_sum3A_105 [1] : vector<1x2048xf32> to vector<1xf32>
    %reduce_sum3A_107 = vector.shape_cast %reduce_sum3A_106 : vector<1xf32> to vector<1x1xf32>
    %reduce_sum3A_108 = vector.extract %reduce_sum3A_107[0, 0] : f32 from vector<1x1xf32>
    %add3A_109 = arith.constant 1.000000e+00 : f32
    %add3A_110 = vector.broadcast %add3A_109 : f32 to vector<2048xf32>
    %add3A_111 = arith.addf %add3A_110, %reduce_max3A_45 : vector<2048xf32>
    %sub3A_112 = arith.subf %add3A_111, %reduce_sum3A_50 : vector<2048xf32>
    %max3A_113 = arith.constant 0.000000e+00 : f32
    %max3A_114 = vector.broadcast %max3A_113 : f32 to vector<2048xf32>
    %max3A_115 = arith.maximumf %sub3A_112, %max3A_114 : vector<2048xf32>
    %reduce_sum3A_116 = vector.shape_cast %max3A_115 : vector<2048xf32> to vector<1x2048xf32>
    %reduce_sum3A_117 = arith.constant dense<0.000000e+00> : vector<1xf32>
    %reduce_sum3A_118 = vector.multi_reduction <add>, %reduce_sum3A_116, %reduce_sum3A_117 [1] : vector<1x2048xf32> to vector<1xf32>
    %reduce_sum3A_119 = vector.shape_cast %reduce_sum3A_118 : vector<1xf32> to vector<1x1xf32>
    %reduce_sum3A_120 = vector.extract %reduce_sum3A_119[0, 0] : f32 from vector<1x1xf32>
    %add3A_121 = arith.addf %reduce_sum3A_108, %reduce_sum3A_120 : f32
    %add3A_122 = arith.constant 1.000000e+00 : f32
    %add3A_123 = vector.broadcast %add3A_122 : f32 to vector<2048xf32>
    %add3A_124 = arith.addf %add3A_123, %reduce_max3A_69 : vector<2048xf32>
    %sub3A_125 = arith.subf %add3A_124, %reduce_sum3A_74 : vector<2048xf32>
    %max3A_126 = arith.constant 0.000000e+00 : f32
    %max3A_127 = vector.broadcast %max3A_126 : f32 to vector<2048xf32>
    %max3A_128 = arith.maximumf %sub3A_125, %max3A_127 : vector<2048xf32>
    %reduce_sum3A_129 = vector.shape_cast %max3A_128 : vector<2048xf32> to vector<1x2048xf32>
    %reduce_sum3A_130 = arith.constant dense<0.000000e+00> : vector<1xf32>
    %reduce_sum3A_131 = vector.multi_reduction <add>, %reduce_sum3A_129, %reduce_sum3A_130 [1] : vector<1x2048xf32> to vector<1xf32>
    %reduce_sum3A_132 = vector.shape_cast %reduce_sum3A_131 : vector<1xf32> to vector<1x1xf32>
    %reduce_sum3A_133 = vector.extract %reduce_sum3A_132[0, 0] : f32 from vector<1x1xf32>
    %add3A_134 = arith.addf %add3A_121, %reduce_sum3A_133 : f32
    %add3A_135 = arith.constant 1.000000e+00 : f32
    %add3A_136 = vector.broadcast %add3A_135 : f32 to vector<2048xf32>
    %add3A_137 = arith.addf %add3A_136, %reduce_max3A_93 : vector<2048xf32>
    %sub3A_138 = arith.subf %add3A_137, %reduce_sum3A_98 : vector<2048xf32>
    %max3A_139 = arith.constant 0.000000e+00 : f32
    %max3A_140 = vector.broadcast %max3A_139 : f32 to vector<2048xf32>
    %max3A_141 = arith.maximumf %sub3A_138, %max3A_140 : vector<2048xf32>
    %iota3A_142 = tpu.iota {dimensions = array<i32: 1>} : vector<1x2048xi32>
    %iota3A_143 = vector.shape_cast %iota3A_142 : vector<1x2048xi32> to vector<2048xi32>
    %lt3A = arith.constant 1536 : i32
    %lt3A_144 = vector.broadcast %lt3A : i32 to vector<2048xi32>
    %lt3A_145 = arith.cmpi slt, %iota3A_143, %lt3A_144 : vector<2048xi32>
    %jit3A_146 = arith.constant 0.000000e+00 : f32
    %broadcast_in_dim3A_147 = vector.broadcast %jit3A_146 : f32 to vector<2048xf32>
    %select_n3A_148 = arith.select %lt3A_145, %max3A_141, %broadcast_in_dim3A_147 : vector<2048xi1>, vector<2048xf32>
    %lt3A_149 = arith.constant 1 : i32
    %lt3A_150 = arith.cmpi slt, %arg0, %lt3A_149 : i32
    %reduce_sum3A_151 = vector.shape_cast %max3A_141 : vector<2048xf32> to vector<1x2048xf32>
    %reduce_sum3A_152 = arith.constant dense<0.000000e+00> : vector<1xf32>
    %reduce_sum3A_153 = vector.multi_reduction <add>, %reduce_sum3A_151, %reduce_sum3A_152 [1] : vector<1x2048xf32> to vector<1xf32>
    %reduce_sum3A_154 = vector.shape_cast %reduce_sum3A_153 : vector<1xf32> to vector<1x1xf32>
    %reduce_sum3A_155 = vector.extract %reduce_sum3A_154[0, 0] : f32 from vector<1x1xf32>
    %reduce_sum3A_156 = vector.shape_cast %select_n3A_148 : vector<2048xf32> to vector<1x2048xf32>
    %reduce_sum3A_157 = arith.constant dense<0.000000e+00> : vector<1xf32>
    %reduce_sum3A_158 = vector.multi_reduction <add>, %reduce_sum3A_156, %reduce_sum3A_157 [1] : vector<1x2048xf32> to vector<1xf32>
    %reduce_sum3A_159 = vector.shape_cast %reduce_sum3A_158 : vector<1xf32> to vector<1x1xf32>
    %reduce_sum3A_160 = vector.extract %reduce_sum3A_159[0, 0] : f32 from vector<1x1xf32>
    %select_n3A_161 = arith.select %lt3A_150, %reduce_sum3A_155, %reduce_sum3A_160 : f32
    %add3A_162 = arith.addf %add3A_134, %select_n3A_161 : f32
    %swap3A = arith.constant 0 : index
    %swap3A_163 = arith.constant 0 : index
    %swap3A_164 = arith.constant 0 : index
    %swap3A_165 = vector.load %arg11[%swap3A, %swap3A_163, %swap3A_164] : memref<2x1x2048xf32, #tpu.memory_space<vmem>>, vector<1x1x2048xf32>
    %swap3A_166 = vector.shape_cast %swap3A_165 : vector<1x1x2048xf32> to vector<2048xf32>
    %swap3A_167 = vector.shape_cast %reduce_max3A_93 : vector<2048xf32> to vector<1x1x2048xf32>
    tpu.vector_store %arg11[%swap3A, %swap3A_163, %swap3A_164], %swap3A_167 {strides = array<i32>} : memref<2x1x2048xf32, #tpu.memory_space<vmem>>, vector<1x1x2048xf32>,
    %jit3A_168 = arith.constant 0.000000e+00 : f32
    %broadcast_in_dim3A_169 = vector.shape_cast %div3A_6 : vector<90x1xf32> to vector<90x1xf32>
    %broadcast_in_dim3A_170 = vector.broadcast %broadcast_in_dim3A_169 : vector<90x1xf32> to vector<90x2048xf32>
    %broadcast_in_dim3A_171 = vector.broadcast %jit3A_168 : f32 to vector<90x2048xf32>
    %select_n3A_172 = arith.select %eq3A_88, %broadcast_in_dim3A_170, %broadcast_in_dim3A_171 : vector<90x2048xi1>, vector<90x2048xf32>
    %reduce_sum3A_173 = arith.constant dense<0.000000e+00> : vector<2048xf32>
    %reduce_sum3A_174 = vector.multi_reduction <add>, %select_n3A_172, %reduce_sum3A_173 [0] : vector<90x2048xf32> to vector<2048xf32>
    %swap3A_175 = arith.constant 1 : index
    %swap3A_176 = arith.constant 0 : index
    %swap3A_177 = arith.constant 0 : index
    %swap3A_178 = vector.load %arg11[%swap3A_175, %swap3A_176, %swap3A_177] : memref<2x1x2048xf32, #tpu.memory_space<vmem>>, vector<1x1x2048xf32>
    %swap3A_179 = vector.shape_cast %swap3A_178 : vector<1x1x2048xf32> to vector<2048xf32>
    %swap3A_180 = vector.shape_cast %reduce_sum3A_174 : vector<2048xf32> to vector<1x1x2048xf32>
    tpu.vector_store %arg11[%swap3A_175, %swap3A_176, %swap3A_177], %swap3A_180 {strides = array<i32>} : memref<2x1x2048xf32, #tpu.memory_space<vmem>>, vector<1x1x2048xf32>,
    %eq3A_181 = arith.constant 0 : i32
    %eq3A_182 = arith.cmpi eq, %arg0, %eq3A_181 : i32
    %convert_element_type3A = arith.extui %eq3A_182 : i1 to i32
    %cond3A = arith.constant 0 : i32
    %cond3A_183 = arith.cmpi ne, %convert_element_type3A, %cond3A : i32
    scf.if %cond3A_183 {
      %swap3A_191 = arith.constant 0.000000e+00 : f32
      %swap3A_192 = arith.constant 0 : index
      %swap3A_193 = arith.constant 0 : index
      %swap3A_194 = memref.load %arg10[%swap3A_192, %swap3A_193] : memref<1x1xf32, #tpu.memory_space<smem>>
      memref.store %swap3A_191, %arg10[%swap3A_192, %swap3A_193] : memref<1x1xf32, #tpu.memory_space<smem>>
    } else {
    }
    %get3A_184 = arith.constant 0 : index
    %get3A_185 = arith.constant 0 : index
    %get3A_186 = memref.load %arg10[%get3A_184, %get3A_185] : memref<1x1xf32, #tpu.memory_space<smem>>
    %add3A_187 = arith.addf %get3A_186, %add3A_162 : f32
    %swap3A_188 = arith.constant 0 : index
    %swap3A_189 = arith.constant 0 : index
    %swap3A_190 = memref.load %arg10[%swap3A_188, %swap3A_189] : memref<1x1xf32, #tpu.memory_space<smem>>
    memref.store %add3A_187, %arg10[%swap3A_188, %swap3A_189] : memref<1x1xf32, #tpu.memory_space<smem>>
    return
  }
  func.func @transform_0(%arg0: i32) -> (i32, i32) {
    %add3A = arith.constant 0 : i32
    %add3A_0 = arith.addi %arg0, %add3A : i32
    %c0_i32 = arith.constant 0 : i32
    %c0_i32_1 = arith.constant 0 : i32
    return %add3A_0, %c0_i32 : i32, i32
  }
  func.func @transform_1(%arg0: i32) -> (i32, i32) {
    %add3A = arith.constant 2 : i32
    %add3A_0 = arith.addi %arg0, %add3A : i32
    %c0_i32 = arith.constant 0 : i32
    %c0_i32_1 = arith.constant 0 : i32
    return %add3A_0, %c0_i32 : i32, i32
  }
  func.func @transform_2(%arg0: i32) -> (i32, i32) {
    %add3A = arith.constant 4 : i32
    %add3A_0 = arith.addi %arg0, %add3A : i32
    %c0_i32 = arith.constant 0 : i32
    %c0_i32_1 = arith.constant 0 : i32
    return %add3A_0, %c0_i32 : i32, i32
  }
  func.func @transform_3(%arg0: i32) -> (i32, i32) {
    %add3A = arith.constant 6 : i32
    %add3A_0 = arith.addi %arg0, %add3A : i32
    %c0_i32 = arith.constant 0 : i32
    %c0_i32_1 = arith.constant 0 : i32
    return %add3A_0, %c0_i32 : i32, i32
  }
  func.func @transform_4(%arg0: i32) -> (i32, i32) {
    %c0_i32 = arith.constant 0 : i32
    %c0_i32_0 = arith.constant 0 : i32
    %c0_i32_1 = arith.constant 0 : i32
    return %c0_i32, %c0_i32_0 : i32, i32
  }
  func.func @transform_5(%arg0: i32) -> (i32, i32, i32) {
    %add3A = arith.constant 0 : i32
    %add3A_0 = arith.addi %arg0, %add3A : i32
    %c0_i32 = arith.constant 0 : i32
    %c0_i32_1 = arith.constant 0 : i32
    %c0_i32_2 = arith.constant 0 : i32
    return %add3A_0, %c0_i32, %c0_i32_1 : i32, i32, i32
  }
  func.func @transform_6(%arg0: i32) -> (i32, i32, i32) {
    %add3A = arith.constant 2 : i32
    %add3A_0 = arith.addi %arg0, %add3A : i32
    %c0_i32 = arith.constant 0 : i32
    %c0_i32_1 = arith.constant 0 : i32
    %c0_i32_2 = arith.constant 0 : i32
    return %add3A_0, %c0_i32, %c0_i32_1 : i32, i32, i32
  }
  func.func @transform_7(%arg0: i32) -> (i32, i32, i32) {
    %add3A = arith.constant 4 : i32
    %add3A_0 = arith.addi %arg0, %add3A : i32
    %c0_i32 = arith.constant 0 : i32
    %c0_i32_1 = arith.constant 0 : i32
    %c0_i32_2 = arith.constant 0 : i32
    return %add3A_0, %c0_i32, %c0_i32_1 : i32, i32, i32
  }
  func.func @transform_8(%arg0: i32) -> (i32, i32, i32) {
    %add3A = arith.constant 6 : i32
    %add3A_0 = arith.addi %arg0, %add3A : i32
    %c0_i32 = arith.constant 0 : i32
    %c0_i32_1 = arith.constant 0 : i32
    %c0_i32_2 = arith.constant 0 : i32
    return %add3A_0, %c0_i32, %c0_i32_1 : i32, i32, i32
  }
  func.func @transform_9(%arg0: i32) -> (i32, i32) {
    %c0_i32 = arith.constant 0 : i32
    %c0_i32_0 = arith.constant 0 : i32
    %c0_i32_1 = arith.constant 0 : i32
    return %c0_i32, %c0_i32_0 : i32, i32
  }
  func.func @transform_10(%arg0: i32) -> (i32, i32, i32) {
    %c0_i32 = arith.constant 0 : i32
    %c0_i32_0 = arith.constant 0 : i32
    %c0_i32_1 = arith.constant 0 : i32
    %c0_i32_2 = arith.constant 0 : i32
    return %c0_i32, %c0_i32_0, %c0_i32_1 : i32, i32, i32
  }
}

module attributes {stable_mosaic.version = 14 : i64} {
  func.func @_tc_combine_kernel(%arg0: i32, %arg1: memref<1x1xf32, #tpu.memory_space<smem>>, %arg2: memref<2x1x2048xf32, #tpu.memory_space<vmem>>, %arg3: memref<1x512x16xf32, #tpu.memory_space<vmem>>, %arg4: memref<1x1xf32, #tpu.memory_space<smem>>) attributes {dimension_semantics = [#tpu.dimension_semantics<arbitrary>], iteration_bounds = array<i64: 1>, scalar_prefetch = 0 : i64, scratch_operands = 0 : i64, tpu.core_type = #tpu.core_type<tc>, window_params = [{transform_indices = @transform_0, window_bounds = array<i64: 1, 1>}, {pipeline_mode = #tpu.pipeline_mode<synchronous>, transform_indices = @transform_1, window_bounds = array<i64: 2, 1, 2048>}, {pipeline_mode = #tpu.pipeline_mode<synchronous>, transform_indices = @transform_2, window_bounds = array<i64: 1, 512, 16>}, {transform_indices = @transform_3, window_bounds = array<i64: 1, 1>}]} {
    %broadcast_in_dim3A = arith.constant 1.000000e+00 : f32
    %broadcast_in_dim3A_0 = vector.broadcast %broadcast_in_dim3A : f32 to vector<1x16xf32>
    %get3A = arith.constant 0 : index
    %get3A_1 = arith.constant 0 : index
    %get3A_2 = arith.constant 0 : index
    %get3A_3 = vector.load %arg3[%get3A, %get3A_1, %get3A_2] : memref<1x512x16xf32, #tpu.memory_space<vmem>>, vector<1x512x16xf32>
    %get3A_4 = vector.shape_cast %get3A_3 : vector<1x512x16xf32> to vector<512x16xf32>
    %dot_general3A = arith.constant dense<0.000000e+00> : vector<1x512xf32>
    %dot_general3A_5 = tpu.matmul %broadcast_in_dim3A_0, %get3A_4, %dot_general3A {dimension_numbers = #tpu.dot_dimension_numbers<[1], [1], [0], [0], [0, 0, 1, 0], [], []>, transpose_lhs_hint = false} : vector<1x16xf32>, vector<512x16xf32>, vector<1x512xf32> -> vector<1x512xf32>
    %squeeze3A = vector.shape_cast %dot_general3A_5 : vector<1x512xf32> to vector<512xf32>
    %get3A_6 = arith.constant 0 : index
    %get3A_7 = arith.constant 0 : index
    %get3A_8 = arith.constant 1536 : index
    %get3A_9 = vector.load %arg2[%get3A_6, %get3A_7, %get3A_8] : memref<2x1x2048xf32, #tpu.memory_space<vmem>>, vector<1x1x512xf32>
    %get3A_10 = vector.shape_cast %get3A_9 : vector<1x1x512xf32> to vector<512xf32>
    %get3A_11 = arith.constant 1 : index
    %get3A_12 = arith.constant 0 : index
    %get3A_13 = arith.constant 1536 : index
    %get3A_14 = vector.load %arg2[%get3A_11, %get3A_12, %get3A_13] : memref<2x1x2048xf32, #tpu.memory_space<vmem>>, vector<1x1x512xf32>
    %get3A_15 = vector.shape_cast %get3A_14 : vector<1x1x512xf32> to vector<512xf32>
    %add3A = arith.constant 1.000000e+00 : f32
    %add3A_16 = vector.broadcast %add3A : f32 to vector<512xf32>
    %add3A_17 = arith.addf %add3A_16, %get3A_10 : vector<512xf32>
    %mul3A = arith.mulf %squeeze3A, %get3A_15 : vector<512xf32>
    %sub3A = arith.subf %add3A_17, %mul3A : vector<512xf32>
    %max3A = arith.constant 0.000000e+00 : f32
    %max3A_18 = vector.broadcast %max3A : f32 to vector<512xf32>
    %max3A_19 = arith.maximumf %sub3A, %max3A_18 : vector<512xf32>
    %reduce_sum3A = vector.shape_cast %max3A_19 : vector<512xf32> to vector<1x512xf32>
    %reduce_sum3A_20 = arith.constant dense<0.000000e+00> : vector<1xf32>
    %reduce_sum3A_21 = vector.multi_reduction <add>, %reduce_sum3A, %reduce_sum3A_20 [1] : vector<1x512xf32> to vector<1xf32>
    %reduce_sum3A_22 = vector.shape_cast %reduce_sum3A_21 : vector<1xf32> to vector<1x1xf32>
    %reduce_sum3A_23 = vector.extract %reduce_sum3A_22[0, 0] : f32 from vector<1x1xf32>
    %get3A_24 = arith.constant 0 : index
    %get3A_25 = arith.constant 0 : index
    %get3A_26 = memref.load %arg1[%get3A_24, %get3A_25] : memref<1x1xf32, #tpu.memory_space<smem>>
    %add3A_27 = arith.addf %get3A_26, %reduce_sum3A_23 : f32
    %mul3A_28 = arith.constant 6.10351563E-5 : f32
    %mul3A_29 = arith.mulf %add3A_27, %mul3A_28 : f32
    %swap3A = arith.constant 0 : index
    %swap3A_30 = arith.constant 0 : index
    %swap3A_31 = memref.load %arg4[%swap3A, %swap3A_30] : memref<1x1xf32, #tpu.memory_space<smem>>
    memref.store %mul3A_29, %arg4[%swap3A, %swap3A_30] : memref<1x1xf32, #tpu.memory_space<smem>>
    return
  }
  func.func @transform_0(%arg0: i32) -> (i32, i32) {
    %c0_i32 = arith.constant 0 : i32
    %c0_i32_0 = arith.constant 0 : i32
    %c0_i32_1 = arith.constant 0 : i32
    return %c0_i32, %c0_i32_0 : i32, i32
  }
  func.func @transform_1(%arg0: i32) -> (i32, i32, i32) {
    %c0_i32 = arith.constant 0 : i32
    %c0_i32_0 = arith.constant 0 : i32
    %c0_i32_1 = arith.constant 0 : i32
    %c0_i32_2 = arith.constant 0 : i32
    return %c0_i32, %c0_i32_0, %c0_i32_1 : i32, i32, i32
  }
  func.func @transform_2(%arg0: i32) -> (i32, i32, i32) {
    %c0_i32 = arith.constant 0 : i32
    %c0_i32_0 = arith.constant 0 : i32
    %c0_i32_1 = arith.constant 0 : i32
    %c0_i32_2 = arith.constant 0 : i32
    return %c0_i32, %c0_i32_0, %c0_i32_1 : i32, i32, i32
  }
  func.func @transform_3(%arg0: i32) -> (i32, i32) {
    %c0_i32 = arith.constant 0 : i32
    %c0_i32_0 = arith.constant 0 : i32
    %c0_i32_1 = arith.constant 0 : i32
    return %c0_i32, %c0_i32_0 : i32, i32
  }
}

</mosaic_0001>

<sc_bundles>
// kernel: kernel.5.cloned.1.call-start
scs
__scs_entry_jumppad:
0x0: {  	(pc) =	sbr.rel $0x88, $3  }
0x1: {  	(tag) =	ssettag $0x0;
	lr =	simm.s32 $0x1  }
0x2: {  	[smem:$0x3F9E] =	sst lr;
	_ =	strace $0xD0000000  }
0x3: {  	_ = 	snop  }
0x4: {  	_ = 	snop  }
0x5: {  	_ = 	snop  }
0x6: {  	_ = 	snop  }
0x7: {  	_ = 	snop  }
__scs_overlays_trampoline_lowered:
0x8: {  	[smem:$0x3FAD] =	sst s0  }
0x9: {  	[smem:$0x3FAE] =	sst s1  }
0xa: {  	[smem:$0x3FAF] =	sst s2  }
0xb: {  	[smem:$0x3FB0] =	sst s3  }
0xc: {  	[smem:$0x3FB1] =	sst s4  }
0xd: {  	[smem:$0x3FB2] =	sst s5  }
0xe: {  	[smem:$0x3FB3] =	sst s6  }
0xf: {  	[smem:$0x3FB4] =	sst s7  }
0x10: {  	[smem:$0x3FB5] =	sst s8  }
0x11: {  	[smem:$0x3FB6] =	sst s9;
	s0 =	simm.s32 @!p0 $0x0  }
0x12: {  	s1 =	sld [smem:$0x3F9C];
	s0 =	simm.s32 @p0 $0x1  }
0x13: {  	[smem:$0x3FB7] =	sst s0;
	s0 =	simm.s32 @!p1 $0x0  }
0x14: {  	s2 =	sld [smem:$0x3F9B];
	s0 =	simm.s32 @p1 $0x1  }
0x15: {  	[smem:$0x3FB8] =	sst s0;
	s0 =	simm.s32 @!p2 $0x0  }
0x16: {  	s3 =	sld [smem:$0x3FDB];
	s0 =	simm.s32 @p2 $0x1  }
0x17: {  	s4 =	simm.s32 $0x1BF5;
	[smem:$0x3FBA] =	sst s0  }
0x18: {  	s0 =	sld [smem:$0x3F9D];
	_ =	swait.ge [sflag:s4], $0x0  }
0x19: {  	s7 =	sld [smem:$0x3F9E]  }
0x1a: {  	s8 =	sadd.s32 $0xFFFFE003, lr  }
0x1b: {  	s9 =	sadd.s32 $0xFFFFFEF7, lr;
	s5 =	simm.s32 $0xFFFFFFFF;
	p2 =	slt.u32 s8, $0xFFFFF086  }
0x1c: {  	p1 =	slt.u32 s9, $0xF7A;
	s5 =	simm.s32 @!p2 $0x0  }
0x1d: {  	s5 =	simm.s32 @p1 $0x1;
	p0 =	seq.s32 s7, s2  }
0x1e: {  	s7 =	smul.u32 @!p0 $0xF7A, s2;
	p2 =	seq.s32 @!p0 s5, $0x0  }
0x1f: {  	s9 =	smul.u32 $0xF7A, s1;
	s8 =	simm.s32 @!p0 $0x1BF5;
	p2 =	por !p2, p0  }
0x20: {  	[sflag:s8] =	ssyncset.s32 @!p0 $0xFFFFF086;
	s6 =	sadd.s32 @!p0 s3, s7;
	s7 =	simm.s32 @!p0 $0x108  }
0x21: {  	s3 =	sadd.s32 s3, s9;
	s6 =	sadd.s32 @!p0 $0x88, s6;
	s7 =	simm.s32 @p2 $0x1082  }
0x22: {  	[simem:s7], [sflag:s8] =	dma.local @!p0 [hbm:s6], $0xF7A  }
0x23: {  	s9 =	sor.u32 $0xD0000000, s2;
	s6 =	simm.s32 $0x108;
	_ =	swait.ge @!p0 [sflag:s8], $0x0  }
0x24: {  	s3 =	sadd.s32 $0x88, s3;
	s6 =	simm.s32 @!p1 $0x1082;
	[sflag:s4] =	ssyncset.s32 $0xFFFFF086  }
0x25: {  	[simem:s6], [sflag:s4] =	dma.local [hbm:s3], $0xF7A  }
0x26: {  	[smem:$0x3F9E] =	sst s1;
	(tag) =	ssettag s2;
	_ =	strace s9  }
0x27: {  	s1 =	sld [smem:$0x3FAE]  }
0x28: {  	s2 =	sld [smem:$0x3FAF]  }
0x29: {  	s4 =	sld [smem:$0x3FB1]  }
0x2a: {  	p0 =	seq.s32 s5, $0x0;
	s5 =	sld [smem:$0x3FB2]  }
0x2b: {  	s6 =	sld [smem:$0x3FB3]  }
0x2c: {  	s7 =	sld [smem:$0x3FB4]  }
0x2d: {  	s3 =	simm.s32 $0x108;
	s8 =	sld [smem:$0x3FB5]  }
0x2e: {  	s3 =	simm.s32 @!p0 $0x1082;
	s9 =	sld [smem:$0x3FB6]  }
0x2f: {  	lr =	sadd.s32 s0, s3;
	s0 =	sld [smem:$0x3FAD]  }
0x30: {  	s3 =	sld [smem:$0x3FB0]  }
0x31: {  	[smem:$0x3FB9] =	sst s10  }
0x32: {  	s10 =	sld [smem:$0x3FB7];
	_ =	sdelay $0x3  }
0x33: {  	p0 =	seq.s32 s10, $0x1;
	s10 =	sld [smem:$0x3FB9];
	_ =	sdelay $0x3  }
0x34: {  	[smem:$0x3FB9] =	sst s10  }
0x35: {  	s10 =	sld [smem:$0x3FB8];
	_ =	sdelay $0x3  }
0x36: {  	p1 =	seq.s32 s10, $0x1;
	s10 =	sld [smem:$0x3FB9];
	_ =	sdelay $0x3  }
0x37: {  	[smem:$0x3FB9] =	sst s10  }
0x38: {  	s10 =	sld [smem:$0x3FBA]  }
0x39: {  	_ = 	snop;
	(pc) =	sbr.ind lr, $3  }
0x3a: {  	_ = 	snop  }
0x3b: {  	_ = 	snop  }
0x3c: {  	p2 =	seq.s32 s10, $0x1;
	s10 =	sld [smem:$0x3FB9]  }
0x3d: {  	_ =	shalt  }
0x3e: {  	_ =	shalt  }
0x3f: {  	_ =	shalt  }
0x40: {  	_ =	shalt  }
0x41: {  	_ =	shalt  }
0x42: {  	_ =	shalt  }
0x43: {  	_ =	shalt  }
0x44: {  	_ =	shalt  }
0x45: {  	_ =	shalt  }
0x46: {  	_ =	shalt  }
0x47: {  	_ =	shalt  }
0x48: {  	_ =	shalt  }
0x49: {  	_ =	shalt  }
0x4a: {  	_ =	shalt  }
0x4b: {  	_ =	shalt  }
0x4c: {  	_ =	shalt  }
0x4d: {  	_ =	shalt  }
0x4e: {  	_ =	shalt  }
0x4f: {  	_ =	shalt  }
0x50: {  	_ =	shalt  }
0x51: {  	_ =	shalt  }
0x52: {  	_ =	shalt  }
0x53: {  	_ =	shalt  }
0x54: {  	_ =	shalt  }
0x55: {  	_ =	shalt  }
0x56: {  	_ =	shalt  }
0x57: {  	_ =	shalt  }
0x58: {  	_ =	shalt  }
0x59: {  	_ =	shalt  }
0x5a: {  	_ =	shalt  }
0x5b: {  	_ =	shalt  }
0x5c: {  	_ =	shalt  }
0x5d: {  	_ =	shalt  }
0x5e: {  	_ =	shalt  }
0x5f: {  	_ =	shalt  }
0x60: {  	_ =	shalt  }
0x61: {  	_ =	shalt  }
0x62: {  	_ =	shalt  }
0x63: {  	_ =	shalt  }
0x64: {  	_ =	shalt  }
0x65: {  	_ =	shalt  }
0x66: {  	_ =	shalt  }
0x67: {  	_ =	shalt  }
0x68: {  	_ =	shalt  }
0x69: {  	_ =	shalt  }
0x6a: {  	_ =	shalt  }
0x6b: {  	_ =	shalt  }
0x6c: {  	_ =	shalt  }
0x6d: {  	_ =	shalt  }
0x6e: {  	_ =	shalt  }
0x6f: {  	_ =	shalt  }
0x70: {  	_ =	shalt  }
0x71: {  	_ =	shalt  }
0x72: {  	_ =	shalt  }
0x73: {  	_ =	shalt  }
0x74: {  	_ =	shalt  }
0x75: {  	_ =	shalt  }
0x76: {  	_ =	shalt  }
0x77: {  	_ =	shalt  }
0x78: {  	_ =	shalt  }
0x79: {  	_ =	shalt  }
0x7a: {  	_ =	shalt  }
0x7b: {  	_ =	shalt  }
0x7c: {  	_ =	shalt  }
0x7d: {  	_ =	shalt  }
0x7e: {  	_ =	shalt  }
0x7f: {  	_ =	shalt  }
0x80: {  	_ =	shalt  }
0x81: {  	_ =	shalt  }
0x82: {  	_ =	shalt  }
0x83: {  	_ =	shalt  }
0x84: {  	_ =	shalt  }
0x85: {  	_ =	shalt  }
0x86: {  	_ =	shalt  }
0x87: {  	_ =	shalt  }
.Lfunc_end0:
.L_simem_size_0:
called_computation_lowered:
.L_overlay_start_0:
0x88: {  	s0 =	sld [smem:$0x3FD9]  }
0x89: {  	s1 =	sld [smem:$0x3FFE];
	_ =	sdelay $0x3  }
0x8a: {  	s0 =	sadd.s32 s1, s0  }
0x8b: {  	[smem:$0x3FC5] =	sst s0  }
0x8c: {  	_ = 	snop  }
0x8d: {  	s0 =	sld [smem:$0x3FC9]  }
0x8e: {  	s16 =	sld [smem:$0x3FC8]  }
0x8f: {  	s2 =	sld [smem:$0x3FC7];
	(tm) =	ssettm $0x1  }
0x90: {  	s3 =	sld [smem:$0x3FFB];
	_ =	sdelay $0x3  }
0x91: {  	_ =	strace s3  }
0x92: {  	s3 =	sld [smem:$0x3FFC];
	_ =	sdelay $0x3  }
0x93: {  	_ =	strace s3  }
0x94: {  	s3 =	sld [smem:$0x3FFD];
	_ =	sdelay $0x3  }
0x95: {  	_ =	strace s3  }
0x96: {  	_ =	strace $0x8FFFFFFF  }
0x97: {  	s17 =	sld [smem:$0x3FDB];
	_ =	sdelay $0x1  }
0x98: {  	s4 =	simm.s32 $_scs_section_size  }
0x99: {  	s5 =	simm.s32 $_size__tile_overlayer_lowered;
	s6 =	simm.s32 $_tile_overlayer_lowered  }
0x9a: {  	s20 =	simm.s32 $0x1BFF;
	s19 =	sshll.u32 s6, $0x1;
	s3 =	sadd.s32 s4, s17  }
0x9b: {  	s7 =	simm.s32 $0x0;
	s18 =	sshll.u32 s5, $0x1;
	s5 =	sadd.s32 s19, s3  }
0x9c: {  	[timem:s7], [sflag:s20] =	dma.local [hbm:s5], s18  }
0x9d: {  	_ =	swait.ge [sflag:s20], s18  }
0x9e: {  	s4 =	ssub.s32 $0x0, s18;
	[sflag:s20] =	ssyncset.done $0x0  }
0x9f: {  	[sflag:s20] =	ssyncadd.s32 s4;
	_ =	sdelay $0x1  }
0xa0: {  	s21 =	simm.s32 $0x1B8B  }
0xa1: {  	_ =	swait.ge [sflag:s21], $0x1  }
0xa2: {  	[sflag:s21] =	ssyncset.done $0x0  }
0xa3: {  	s23 =	simm.s32 $0x1B8E;
	s22 =	sld [smem:$0x3FFE];
	[sflag:s21] =	ssyncadd.s32 $0xFFFFFFFF  }
0xa4: {  	s24 =	simm.s32 $execute0_lowered;
	[smem:$0x3FD2] =	sst s23  }
0xa5: {  	s5 =	sshll.u32 s24, $0x1;
	_ =	strace $0x80000046;
	[dreg:$0x1] =	wrdreg $0xFFFFFFFF  }
0xa6: {  	s25 =	simm.s32 $_size_execute0_lowered;
	s3 =	sadd.s32 s3, s5;
	[dreg:$0x0] =	wrdreg $0x0  }
0xa7: {  	s5 =	sshll.u32 s25, $0x1;
	[dreg:$0x2] =	wrdreg s3  }
0xa8: {  	[dreg:$0x3] =	wrdreg s5  }
0xa9: {  	[dreg:$0x4] =	wrdreg $0xC0  }
0xaa: {  	_ =	task [dreg:s7], $0x5FFFF  }
0xab: {  	[dreg:$0x1] =	wrdreg $0xFFFFFFFF  }
0xac: {  	[dreg:$0x0] =	wrdreg $0x60  }
0xad: {  	[dreg:$0x2] =	wrdreg s0  }
0xae: {  	[dreg:$0x3] =	wrdreg s16  }
0xaf: {  	[dreg:$0x4] =	wrdreg s2  }
0xb0: {  	[dreg:$0x5] =	wrdreg s22  }
0xb1: {  	[dreg:$0x6] =	wrdreg $0x9  }
0xb2: {  	_ =	task.clear_ibuf [dreg:s7], $0x7FFFF;
	_ =	strace $0x90000046  }
0xb3: {  	s26 =	simm.s32 $0x9;
	_ =	strace $0x80000048  }
0xb4: {  	_ =	swait.ge [sflag:s26], $0x1  }
0xb5: {  	[sflag:s26] =	ssyncadd.s32 $0xFFFFFFFF  }
0xb6: {  	_ =	strace $0x90000048  }
0xb7: {  	_ =	sfence  }
0xb8: {  	s28 =	sld [smem:$0x0];
	_ =	sdelay $0x1  }
0xb9: {  	s29 =	srdreg.scid  }
0xba: {  	s30 =	sshll.u32 s29, $0xD;
	s31 =	sshrl.u32 s29, $0x2  }
0xbb: {  	s1 =	sand.u32 $0x1, s29;
	s2 =	sand.u32 $0x4000, s30;
	s0 =	sadd.s32 s31, s28  }
0xbc: {  	s1 =	sor.u32 s2, s1;
	s0 =	sshll.u32 s0, $0x11  }
0xbd: {  	s0 =	sor.u32 s0, s1  }
0xbe: {  	s0 =	sadd.s32 $0x8F2B, s0  }
0xbf: {  	[sflag:s0] =	ssyncadd.remote.s32 $0x1  }
0xc0: {  	_ =	sfence.sel $0xFFFF  }
0xc1: {  	[dreg:$0x0] =	wrdreg $0xFFFFFFFF;
	(pc) =	sbr.abs _section_cstart, $3  }
0xc2: {  	[dreg:$0x1] =	wrdreg $0xFFFFFFFF  }
0xc3: {  	_ =	task.clear_ibuf [dreg:s7], $0x2FFFF;
	_ =	strace $0x9FFFFFFF  }
0xc4: {  	(tm) =	ssettm $0x7FFFFFFF  }
0xc5: {  	_ =	shalt  }
tec
execute0_lowered:
.L_overlay_start_1:
0x0: {  	(tag) =	ssettag $0x1  }
0x1: {  	s2 =	rddreg [dreg:$0x0]  }
0x2: {  	s3 =	rddreg [dreg:$0x1]  }
0x3: {  	s4 =	rddreg [dreg:$0x2];
	s0 =	stileid.u32  }
0x4: {  	s5 =	rddreg [dreg:$0x3];
	s6 =	sshll.u32 s0, $0x5  }
0x5: {  	s1 =	rddreg [dreg:$0x4];
	s7 =	simm.s32 $0x0;
	s6 =	sor.u32 $0x3E00, s6  }
0x6: {  	[smem:$0x7FF] =	sst s7;
	s8 =	sshll.u32 s6, $0x4  }
0x7: {  	_ =	strace $0x80000047;
	s6 =	sshrl.u32 s6, $0x3;
	s2 =	sadd.s32 s2, s8  }
0x8: {  	[tilespmem:s7], [sflag:$0x1] =	stream.linear.gather [hbm4b:s2+s7], $0x1000, $0x38;
	[tilespmem:$0x3080] =	vst v63  }
0x9: {  	s25 =	simm.s32 $0x1000;
	s26 =	simm.s32 $0x3;
	s24 =	sadd.s32 s3, s6  }
0xa: {  	[tilespmem:s25], [sflag:$0x3] =	stream.linear.gather [hbm4b:s24+s7], $0x20, $0x38;
	[tilespmem:$0x3080] =	vst v63  }
0xb: {  	_ =	swait.ge [sflag:s26], $0x20  }
0xc: {  	s28 =	simm.s32 $0x20;
	[sflag:s26] =	ssyncset.done $0x0  }
0xd: {  	s29 =	simm.s32 $0x1080;
	s30 =	simm.s32 $0x1;
	[sflag:s26] =	ssyncadd.s32 $0xFFFFFFE0  }
0xe: {  	[tilespmem:s29], [sflag:$0x2] =	stream.indirect.gather [hbm4b:s4+s28], $0x80, s25, s28, $0xb8;
	[tilespmem:$0x3080] =	vst v63  }
0xf: {  	_ =	swait.ge [sflag:s30], $0x1000  }
0x10: {  	[sflag:s30] =	ssyncset.done $0x0  }
0x11: {  	s31 =	simm.s32 $0x2;
	[sflag:s30] =	ssyncadd.s32 $0xFFFFF000  }
0x12: {  	_ =	swait.ge [sflag:s31], $0x1000  }
0x13: {  	[sflag:s31] =	ssyncset.done $0x0  }
0x14: {  	s2 =	simm.s32 $0x0;
	[sflag:s31] =	ssyncadd.s32 $0xFFFFF000  }
0x15: {  	v2 =	vld [tilespmem:s2+$0xC0]  }
0x16: {  	v3 =	vld [tilespmem:s2+$0x1140]  }
0x17: {  	v4 =	vld [tilespmem:s2+$0xD0]  }
0x18: {  	v5 =	vld [tilespmem:s2+$0x1150]  }
0x19: {  	v0 =	vld [tilespmem:s2+$0xE0]  }
0x1a: {  	v1 =	vld [tilespmem:s2+$0x1160]  }
0x1b: {  	v6 =	vld [tilespmem:s2+$0x80]  }
0x1c: {  	v7 =	vld [tilespmem:s2+$0x1100]  }
0x1d: {  	v8 =	vld [tilespmem:s2+$0x90]  }
0x1e: {  	v10 =	vld [tilespmem:s2+$0x1110]  }
0x1f: {  	v9 =	vld [tilespmem:s2+$0xA0]  }
0x20: {  	v11 =	vld [tilespmem:s2+$0x1120]  }
0x21: {  	s3 =	sadd.s32 $0xE00, s5;
	s4 =	simm.s32 $0x400;
	v12 =	vld [tilespmem:s2+$0xB0]  }
.LBB2_1:
0x22: {  	p0 =	sne.s32 s4, $0x3C00;
	v13 =	vld [tilespmem:s2+$0x1130]  }
0x23: {  	v14 =	vld [tilespmem:s2+$0xF0]  }
0x24: {  	v15 =	vld [tilespmem:s2+$0x1170]  }
0x25: {  	v2 =	vmul.f32 v3, v2;
	v3 =	vmul.f32 v5, v4;
	v16 =	vld [tilespmem:s2+$0x0]  }
0x26: {  	v5 =	vmul.f32 v7, v6;
	v6 =	vmul.f32 v10, v8;
	v4 =	vld [tilespmem:s2+$0x1080]  }
0x27: {  	v8 =	vmul.f32 v11, v9;
	v7 =	vld [tilespmem:s2+$0x10];
	v9 =	vmul.f32 v13, v12  }
0x28: {  	v0 =	vmul.f32 v1, v0;
	v5 =	vadd.f32 $0.0e+00, v5;
	v6 =	vadd.f32 $0.0e+00, v6;
	v10 =	vld [tilespmem:s2+$0x1090]  }
0x29: {  	v8 =	vadd.f32 $0.0e+00, v8;
	v1 =	vld [tilespmem:s2+$0x20];
	v9 =	vadd.f32 $0.0e+00, v9;
	v11 =	vmul.f32 v15, v14  }
0x2a: {  	v2 =	vadd.f32 v2, v5;
	v3 =	vadd.f32 v3, v6;
	v12 =	vld [tilespmem:s2+$0x10A0]  }
0x2b: {  	v0 =	vadd.f32 v0, v8;
	v4 =	vmul.f32 v4, v16;
	v5 =	vld [tilespmem:s2+$0x30];
	v6 =	vadd.f32 v11, v9  }
0x2c: {  	v8 =	vld [tilespmem:s2+$0x10B0]  }
0x2d: {  	v2 =	vadd.f32 v3, v2;
	v7 =	vmul.f32 v10, v7;
	v9 =	vld [tilespmem:s2+$0x40];
	v0 =	vadd.f32 v6, v0  }
0x2e: {  	v3 =	vadd.f32 $0.0e+00, v4;
	v4 =	vld [tilespmem:s2+$0x10C0]  }
0x2f: {  	v6 =	vadd.f32 $0.0e+00, v7;
	v1 =	vmul.f32 v12, v1;
	v7 =	vld [tilespmem:s2+$0x50];
	v0 =	vadd.f32 v0, v2  }
0x30: {  	v10 =	vld [tilespmem:s2+$0x10D0]  }
0x31: {  	v1 =	vadd.f32 $0.0e+00, v1;
	v2 =	vmul.f32 v8, v5;
	v5 =	vld [tilespmem:s2+$0x60];
	[tilespmem:s2+$0x2100] =	vst v0  }
0x32: {  	v0 =	vld [tilespmem:s2+$0x10E0]  }
0x33: {  	v8 =	vadd.f32 $0.0e+00, v2;
	v4 =	vmul.f32 v4, v9;
	v9 =	vld [tilespmem:s2+$0x70]  }
0x34: {  	s5 =	sshra.s32 s4, $0x2;
	v11 =	vld [tilespmem:s2+$0x10F0]  }
0x35: {  	v2 =	vld [tilespmem:s5+$0xC0];
	v12 =	vadd.f32 v4, v3;
	v7 =	vmul.f32 v10, v7  }
0x36: {  	v3 =	vld [tilespmem:s5+$0x1140]  }
0x37: {  	v4 =	vld [tilespmem:s5+$0xD0];
	v6 =	vadd.f32 v7, v6;
	v7 =	vmul.f32 v0, v5  }
0x38: {  	v5 =	vld [tilespmem:s5+$0x1150]  }
0x39: {  	v0 =	vld [tilespmem:s5+$0xE0];
	v10 =	vadd.f32 v7, v1;
	v7 =	vmul.f32 v11, v9;
	v11 =	vadd.f32 v6, v12  }
0x3a: {  	v1 =	vld [tilespmem:s5+$0x1160]  }
0x3b: {  	v6 =	vld [tilespmem:s5+$0x80];
	v9 =	vadd.f32 v7, v8  }
0x3c: {  	v7 =	vld [tilespmem:s5+$0x1100]  }
.Ltmp0:
0x3d: {  	v8 =	vld [tilespmem:s5+$0x90];
	v12 =	vadd.f32 v9, v10;
	(pc) =	sbr.rel @p0 .LBB2_1-.Ltmp0, $4  }
0x3e: {  	v10 =	vld [tilespmem:s5+$0x1110]  }
0x3f: {  	v9 =	vld [tilespmem:s5+$0xA0];
	v13 =	vadd.f32 v12, v11  }
0x40: {  	v11 =	vld [tilespmem:s5+$0x1120]  }
0x41: {  	s4 =	sadd.s32 $0x400, s4;
	v12 =	vld [tilespmem:s5+$0xB0];
	[tilespmem:s2+$0x2080] =	vst v13;
	s2 =	smov.u32 s5  }
0x42: {  	v13 =	vld [tilespmem:s2+$0x1130]  }
0x43: {  	v14 =	vld [tilespmem:s2+$0xF0]  }
0x44: {  	v15 =	vld [tilespmem:s2+$0x1170]  }
0x45: {  	v16 =	vld [tilespmem:s2+$0x0]  }
0x46: {  	v41 =	vld [tilespmem:s2+$0x1080]  }
0x47: {  	v44 =	vld [tilespmem:s2+$0x10]  }
0x48: {  	v47 =	vld [tilespmem:s2+$0x1090]  }
0x49: {  	v48 =	vld [tilespmem:s2+$0x20]  }
0x4a: {  	v50 =	vld [tilespmem:s2+$0x10A0]  }
0x4b: {  	v51 =	vld [tilespmem:s2+$0x30]  }
0x4c: {  	v53 =	vld [tilespmem:s2+$0x10B0]  }
0x4d: {  	v2 =	vmul.f32 v3, v2;
	v40 =	vmul.f32 v5, v4;
	v54 =	vld [tilespmem:s2+$0x40]  }
0x4e: {  	v42 =	vmul.f32 v7, v6;
	v55 =	vld [tilespmem:s2+$0x10C0];
	v43 =	vmul.f32 v10, v8  }
0x4f: {  	v56 =	vld [tilespmem:s2+$0x50];
	v45 =	vmul.f32 v11, v9;
	v46 =	vmul.f32 v13, v12  }
0x50: {  	v0 =	vmul.f32 v1, v0;
	v57 =	vld [tilespmem:s2+$0x10D0];
	v5 =	vadd.f32 $0.0e+00, v42;
	v6 =	vadd.f32 $0.0e+00, v43  }
0x51: {  	v60 =	vld [tilespmem:s2+$0x70];
	v8 =	vadd.f32 $0.0e+00, v45;
	v49 =	vmul.f32 v15, v14;
	v9 =	vadd.f32 $0.0e+00, v46  }
0x52: {  	v61 =	vld [tilespmem:s2+$0x10F0];
	v2 =	vadd.f32 v2, v5;
	v3 =	vadd.f32 v40, v6  }
0x53: {  	v58 =	vld [tilespmem:s2+$0x60];
	v0 =	vadd.f32 v0, v8;
	v52 =	vadd.f32 v49, v9  }
0x54: {  	v59 =	vld [tilespmem:s2+$0x10E0];
	v4 =	vmul.f32 v41, v16  }
0x55: {  	v7 =	vmul.f32 v47, v44;
	v2 =	vadd.f32 v3, v2;
	v0 =	vadd.f32 v52, v0  }
0x56: {  	v1 =	vmul.f32 v50, v48;
	v5 =	vmul.f32 v53, v51  }
0x57: {  	v62 =	vmul.f32 v61, v60;
	v4 =	vadd.f32 $0.0e+00, v4;
	v0 =	vadd.f32 v0, v2  }
0x58: {  	v7 =	vadd.f32 $0.0e+00, v7;
	v3 =	vmul.f32 v55, v54;
	v5 =	vadd.f32 $0.0e+00, v5  }
0x59: {  	v1 =	vadd.f32 $0.0e+00, v1;
	v2 =	vmul.f32 v57, v56;
	[tilespmem:s2+$0x2100] =	vst v0;
	v0 =	vmul.f32 v59, v58  }
0x5a: {  	v3 =	vadd.f32 v3, v4;
	v63 =	vadd.f32 v62, v5  }
0x5b: {  	v2 =	vadd.f32 v2, v7;
	v0 =	vadd.f32 v0, v1;
	_ =	sdelay $0x1  }
0x5c: {  	v2 =	vadd.f32 v2, v3;
	v0 =	vadd.f32 v63, v0;
	_ =	sdelay $0x1  }
0x5d: {  	v0 =	vadd.f32 v0, v2  }
0x5e: {  	s4 =	sshll.u32 s0, $0x9;
	s29 =	simm.s32 $0x0  }
0x5f: {  	s30 =	simm.s32 $0x2080;
	s31 =	simm.s32 $0x3;
	s28 =	sadd.s32 s3, s4;
	[tilespmem:s2+$0x2080] =	vst v0  }
0x60: {  	[hbm4b:s28+s29] =	stream.linear.scatter [tilespmem:s30], [sflag:$0x3], $0x1000, $0x38;
	[tilespmem:$0x3080] =	vst v63  }
0x61: {  	_ =	swait.ge [sflag:s31], $0x1000  }
0x62: {  	[sflag:s31] =	ssyncset.done $0x0  }
0x63: {  	[sflag:s31] =	ssyncadd.s32 $0xFFFFF000  }
0x64: {  	_ =	sfence.sel $0x180000  }
0x65: {  	[bflag:$0x0] =	sbarrier.arrive $0xFFFF  }
0x66: {  	p0 =	sne.s32 s0, $0x0;
	_ =	strace $0x90000047  }
0x67: {  	s0 =	sadd.s32 @!p0 $0x100000, s1;
	[bflag:$0x2] =	sbarrier.arrive $0xFFFF  }
0x68: {  	[sflag:s0] =	ssyncadd.tile.s32 @!p0 $0x1;
	_ =	shalt  }
.Lfunc_end2:
_tile_overlayer_lowered:
.L_overlay_start_2:
0x69: {  	(tag) =	ssettag $0x2  }
0x6a: {  	s0 =	rddreg [dreg:$0x0];
	s2 =	stileid.u32  }
0x6b: {  	s1 =	rddreg [dreg:$0x1];
	p0 =	sne.s32 s2, $0x0  }
0x6c: {  	s3 =	rddreg [dreg:$0x2];
	[bflag:$0x3] =	sbarrier.arrive $0xFFFF;
	s2 =	simm.s32 @!p0 $0x1C03  }
0x6d: {  	[timem:s3], [sflag:s2] =	dma.local @!p0 [hbm:s0], s1  }
0x6e: {  	s0 =	simm.s32 @!p0 $0x3  }
0x6f: {  	_ =	swait.ge @!p0 [sflag:s0], s1  }
0x70: {  	s1 =	ssub.s32 @!p0 $0x0, s1;
	[sflag:s0] =	ssyncset.done @!p0 $0x0  }
0x71: {  	[sflag:s0] =	ssyncadd.s32 @!p0 s1  }
0x72: {  	[bflag:$0x3] =	sbarrier.arrive $0xFFFF  }
0x73: {  	_ =	shalt  }

</sc_bundles>
